<compile_context>
chip_gen: v7x
topology: tpu7x:2x2x1
jax: 0.10.2.dev20260603
libtpu: 0.0.44.dev20260713+nightly
codegen_flags: <defaults>
</compile_context>

<pallas_src>
import functools

import jax
import jax.numpy as jnp
from jax import lax
from jax.experimental import pallas as pl
from jax.experimental.pallas import tpu as pltpu
from jax.experimental.pallas import tpu_sc as plsc

N = 10000
E = 320000
IN_F = 128
H = 8
F = 16
HF = H * F

NC = 2
NS = 16
NW = NC * NS
EPW = E // NW
B = 80
NB = EPW // B
RLO = 624
RHI = 640
CK = 16

_mesh = plsc.VectorSubcoreMesh(core_axis_name="c", subcore_axis_name="s")

_GDN = lax.GatherDimensionNumbers(
    offset_dims=(), collapsed_slice_dims=(0,), start_index_map=(0,))


def _lane_gather(v, idx):
    return lax.gather(v, idx[:, None], _GDN, (1,),
                      mode=lax.GatherScatterMode.PROMISE_IN_BOUNDS)


@functools.partial(
    pl.kernel,
    mesh=_mesh,
    compiler_params=pltpu.CompilerParams(use_tc_tiling_on_sc=False),
    out_type=[
        jax.ShapeDtypeStruct((NC, N, HF), jnp.float32),
        jax.ShapeDtypeStruct((NC, N, F), jnp.float32),
    ],
    scratch_types=[
        pltpu.VMEM((B,), jnp.int32),
        pltpu.VMEM((B,), jnp.int32),
        pltpu.VMEM((B,), jnp.int32),
        pltpu.VMEM((B, F), jnp.float32),
        pltpu.VMEM((B, F), jnp.float32),
        pltpu.VMEM((B, HF), jnp.float32),
        pltpu.VMEM((B, HF), jnp.float32),
        pltpu.VMEM((B, F), jnp.float32),
        pltpu.VMEM((CK, HF), jnp.float32),
        pltpu.VMEM((RHI, F), jnp.float32),
        pltpu.VMEM_SHARED((N, HF), jnp.float32),
        pltpu.VMEM_SHARED((N, F), jnp.float32),
        pltpu.SemaphoreType.DMA,
    ],
)
def _edge_sweep(edges_hbm, h_hbm, s_hbm, num_out, den_out,
                ipk, isrc, idst, srows, drows, hrows, msg, wv, tmpr, tmpd,
                num_sh, den_sh, sem):
    c = lax.axis_index("c")
    s = lax.axis_index("s")
    wid = s * NC + c

    zero16 = jnp.zeros((16,), jnp.float32)

    def _zr(i, carry):
        for j in range(HF // 16):
            tmpr[i, pl.ds(16 * j, 16)] = zero16
        return carry
    lax.fori_loop(0, CK, _zr, 0)

    def _zd(i, carry):
        tmpd[i, :] = zero16
        return carry
    lax.fori_loop(0, RHI, _zd, 0)

    last = s == NS - 1
    nrows = jnp.where(last, RHI, RLO)
    nck = nrows // CK
    r0 = s * RLO

    def _z2(i, carry):
        pltpu.sync_copy(tmpr, num_sh.at[pl.ds(r0 + i * CK, CK)])
        return carry
    lax.fori_loop(0, nck, _z2, 0)

    @pl.when(jnp.logical_not(last))
    def _():
        pltpu.sync_copy(tmpd.at[pl.ds(0, RLO)], den_sh.at[pl.ds(r0, RLO)])

    @pl.when(last)
    def _():
        pltpu.sync_copy(tmpd, den_sh.at[pl.ds(r0, RHI)])

    plsc.subcore_barrier()

    lane = lax.iota(jnp.int32, 16)
    hi_idx = (lane & 7) + 8
    lo_mask = lane < 8
    e0 = wid * EPW

    def _batch(bi, carry):
        base = e0 + bi * B
        pltpu.sync_copy(edges_hbm.at[pl.ds(base, B)], ipk)
        for j in range(B // 16):
            v = ipk[pl.ds(16 * j, 16)]
            isrc[pl.ds(16 * j, 16)] = v & 0xFFFF
            idst[pl.ds(16 * j, 16)] = v >> 16
        pltpu.async_copy(s_hbm.at[isrc], srows, sem).wait()
        pltpu.async_copy(s_hbm.at[idst], drows, sem).wait()
        pltpu.async_copy(h_hbm.at[isrc], hrows, sem).wait()

        def _edge(b, ecarry):
            srow = srows[b, :]
            drow = drows[b, :]
            dpart = _lane_gather(drow, hi_idx)
            a = srow + dpart
            a = jnp.where(a > 0, a, 0.2 * a)
            w16 = jnp.where(lo_mask, jnp.exp(a), 0.0)
            wv[b, :] = w16
            for h in range(H):
                bc = _lane_gather(w16, jnp.full((16,), h, jnp.int32))
                msg[b, pl.ds(16 * h, 16)] = bc * hrows[b, pl.ds(16 * h, 16)]
            return ecarry
        lax.fori_loop(0, B, _edge, 0)

        pltpu.sync_copy(wv, den_sh.at[idst], add=True)
        pltpu.sync_copy(msg, num_sh.at[idst], add=True)
        return carry
    lax.fori_loop(0, NB, _batch, 0)

    plsc.subcore_barrier()

    def _rb(i, carry):
        pltpu.sync_copy(num_sh.at[pl.ds(r0 + i * CK, CK)], tmpr)
        pltpu.sync_copy(tmpr, num_out.at[c, pl.ds(r0 + i * CK, CK)])
        return carry
    lax.fori_loop(0, nck, _rb, 0)

    @pl.when(jnp.logical_not(last))
    def _():
        pltpu.sync_copy(den_sh.at[pl.ds(r0, RLO)], tmpd.at[pl.ds(0, RLO)])
        pltpu.sync_copy(tmpd.at[pl.ds(0, RLO)], den_out.at[c, pl.ds(r0, RLO)])

    @pl.when(last)
    def _():
        pltpu.sync_copy(den_sh.at[pl.ds(r0, RHI)], tmpd)
        pltpu.sync_copy(tmpd, den_out.at[c, pl.ds(r0, RHI)])


def _prep_body(x_ref, wt_ref, a_ref, h_ref, s_ref):
    hb = jnp.dot(x_ref[...], wt_ref[...], preferred_element_type=jnp.float32)
    h_ref[...] = hb
    s_ref[...] = jnp.dot(hb, a_ref[...], preferred_element_type=jnp.float32)


_BN = 1000


def _prep(x, wt, a_mat):
    return pl.pallas_call(
        _prep_body,
        grid=(N // _BN,),
        in_specs=[
            pl.BlockSpec((_BN, IN_F), lambda i: (i, 0)),
            pl.BlockSpec((IN_F, HF), lambda i: (0, 0)),
            pl.BlockSpec((HF, F), lambda i: (0, 0)),
        ],
        out_specs=[
            pl.BlockSpec((_BN, HF), lambda i: (i, 0)),
            pl.BlockSpec((_BN, F), lambda i: (i, 0)),
        ],
        out_shape=[
            jax.ShapeDtypeStruct((N, HF), jnp.float32),
            jax.ShapeDtypeStruct((N, F), jnp.float32),
        ],
    )(x, wt, a_mat)


def _fin_body(n_ref, d_ref, b_ref, r_ref, o_ref):
    ns = n_ref[0] + n_ref[1]
    den = d_ref[0] + d_ref[1]
    rec = 1.0 / jnp.clip(den, 1e-10, None)
    recf = jnp.dot(rec, r_ref[...], preferred_element_type=jnp.float32)
    o_ref[...] = ns * recf + b_ref[...]


def _fin(num, den, bias2d, r_mat):
    return pl.pallas_call(
        _fin_body,
        grid=(N // _BN,),
        in_specs=[
            pl.BlockSpec((NC, _BN, HF), lambda i: (0, i, 0)),
            pl.BlockSpec((NC, _BN, F), lambda i: (0, i, 0)),
            pl.BlockSpec((1, HF), lambda i: (0, 0)),
            pl.BlockSpec((F, HF), lambda i: (0, 0)),
        ],
        out_specs=pl.BlockSpec((_BN, HF), lambda i: (i, 0)),
        out_shape=jax.ShapeDtypeStruct((N, HF), jnp.float32),
    )(num, den, bias2d, r_mat)


def kernel(x, edge_index, W, a_src, a_dst, bias):
    eye8 = jnp.eye(H, dtype=jnp.float32)
    a1 = (a_src[:, :, None] * eye8[:, None, :]).reshape(HF, H)
    a2 = (a_dst[:, :, None] * eye8[:, None, :]).reshape(HF, H)
    a_mat = jnp.concatenate([a1, a2], axis=1)

    h, s = _prep(x, W.T, a_mat)

    packed = edge_index[0] | (edge_index[1] << 16)
    num, den = _edge_sweep(packed, h, s)

    col_head = jnp.arange(HF, dtype=jnp.int32) // F
    rows = jnp.arange(F, dtype=jnp.int32)
    r_mat = ((rows[:, None] == col_head[None, :]) & (rows[:, None] < H)
             ).astype(jnp.float32)
    return _fin(num, den, bias.reshape(1, HF), r_mat)

# --- scband reference (transcript-rebuilt; emitter-appended) ---
"""Pipeline reference for scband-graph-attention-layer-21749714387567 (READ-ONLY COPY).

The authoritative reference and input builder live on the scoring server;
editing this copy changes nothing except your own understanding.
"""

import jax, jax.numpy as jnp
import numpy as np

N = 10000
E = 320000
IN_F = 128
H = 8
F = 16


def setup_inputs(seed: int = 0) -> dict:
    key = jax.random.key(seed)
    k1, k2, k3, k4, k5 = jax.random.split(key, 5)
    x = jax.random.normal(k1, (N, IN_F), dtype=jnp.float32)
    edge_index = jax.random.randint(k2, (2, E), 0, N, dtype=jnp.int32)
    # xavier-uniform-ish init for W (shape [heads*out, in] like nn.Linear weight)
    gain = float(np.sqrt(2.0))
    bW = gain * np.sqrt(6.0 / (H * F + IN_F))
    W = jax.random.uniform(k3, (H * F, IN_F), dtype=jnp.float32, minval=-bW, maxval=bW)
    bA = gain * np.sqrt(6.0 / (H + F))
    a_src = jax.random.uniform(k4, (H, F), dtype=jnp.float32, minval=-bA, maxval=bA)
    a_dst = jax.random.uniform(k5, (H, F), dtype=jnp.float32, minval=-bA, maxval=bA)
    bias = jnp.zeros((H * F,), dtype=jnp.float32)
    return {"x": x, "edge_index": edge_index, "W": W, "a_src": a_src, "a_dst": a_dst, "bias": bias}


def reference(x, edge_index, W, a_src, a_dst, bias):
    # h = W(x) viewed as [N, heads, out_features]
    h = (x @ W.T).reshape(N, H, F)
    src = edge_index[0]
    dst = edge_index[1]
    h_src = h[src]              # [E, H, F] gather
    h_dst = h[dst]              # [E, H, F] gather
    alpha_src = (h_src * a_src).sum(axis=-1)   # [E, H]
    alpha_dst = (h_dst * a_dst).sum(axis=-1)   # [E, H]
    alpha = alpha_src + alpha_dst
    # LeakyReLU(0.2)
    alpha = jnp.where(alpha > 0, alpha, 0.2 * alpha)
    # scatter softmax over dst
    amax = jax.ops.segment_max(alpha, dst, num_segments=N)  # [N, H]
    recentered = alpha - amax[dst]
    exp_scores = jnp.exp(recentered)
    denom = jax.ops.segment_sum(exp_scores, dst, num_segments=N)  # [N, H]
    alpha = exp_scores / jnp.clip(denom[dst], 1e-10, None)
    # weighted message aggregation (index_add over dst)
    out = h_src * alpha[..., None]  # [E, H, F]
    aggregated = jax.ops.segment_sum(out, dst, num_segments=N)  # [N, H, F]
    out = aggregated.reshape(N, H * F)  # concat=True
    return out + bias

if __name__ == "__main__":
    import jax
    _d = setup_inputs()
    print(jax.jit(kernel)(*tuple(_d.values())))

</pallas_src>

<mosaic_0001>
#map = affine_map<(d0, d1) -> (0)>
#map1 = affine_map<(d0, d1) -> (0, 0)>
#map2 = affine_map<(d0, d1) -> (0, 0, 0)>
module attributes {stable_mosaic.version = 14 : i64} {
  func.func @_edge_sweep(%arg0: i32, %arg1: i32, %arg2: memref<320000xi32, #tpu.memory_space<hbm>>, %arg3: memref<10000x128xf32, #tpu.memory_space<hbm>>, %arg4: memref<10000x16xf32, #tpu.memory_space<hbm>>, %arg5: memref<2x10000x128xf32, #tpu.memory_space<hbm>>, %arg6: memref<2x10000x16xf32, #tpu.memory_space<hbm>>, %arg7: memref<80xi32, #tpu.memory_space<vmem>>, %arg8: memref<80xi32, #tpu.memory_space<vmem>>, %arg9: memref<80xi32, #tpu.memory_space<vmem>>, %arg10: memref<80x16xf32, #tpu.memory_space<vmem>>, %arg11: memref<80x16xf32, #tpu.memory_space<vmem>>, %arg12: memref<80x128xf32, #tpu.memory_space<vmem>>, %arg13: memref<80x128xf32, #tpu.memory_space<vmem>>, %arg14: memref<80x16xf32, #tpu.memory_space<vmem>>, %arg15: memref<16x128xf32, #tpu.memory_space<vmem>>, %arg16: memref<640x16xf32, #tpu.memory_space<vmem>>, %arg17: memref<10000x128xf32, #tpu.memory_space<vmem_shared>>, %arg18: memref<10000x16xf32, #tpu.memory_space<vmem_shared>>, %arg19: memref<!tpu.dma_semaphore, #tpu.memory_space<semaphore_mem>>) attributes {dimension_semantics = [#tpu.dimension_semantics<core_parallel>, #tpu.dimension_semantics<subcore_parallel>], iteration_bounds = array<i64: 2, 16>, scalar_prefetch = 0 : i64, scratch_operands = 13 : i64, tpu.core_type = #tpu.core_type<sc_vector_subcore>, window_params = [{transform_indices = #map}, {transform_indices = #map1}, {transform_indices = #map1}, {transform_indices = #map2}, {transform_indices = #map2}]} {
    %mul3A = arith.constant 2 : i32
    %mul3A_0 = arith.muli %arg1, %mul3A : i32
    %add3A = arith.addi %mul3A_0, %arg0 : i32
    %broadcast_in_dim3A = arith.constant 0.000000e+00 : f32
    %broadcast_in_dim3A_1 = vector.broadcast %broadcast_in_dim3A : f32 to vector<16xf32>
    %scan3A = arith.constant 0 : i32
    %scan3A_2 = arith.constant 0 : i32
    %scan3A_3 = arith.constant 16 : i32
    %scan3A_4 = arith.addi %scan3A_2, %scan3A_3 : i32
    %scan3A_5 = arith.constant 1 : i32
    scf.for %scan3A_84 = %scan3A_2 to %scan3A_4 step %scan3A_5  : i32 {
      %swap3A = arith.index_cast %scan3A_84 : i32 to index
      %swap3A_85 = arith.constant 0 : index
      %swap3A_86 = tpu.vector_load %arg15[%swap3A, %swap3A_85] {strides = array<i32>} : memref<16x128xf32, #tpu.memory_space<vmem>>, vector<1x16xf32>,
      %swap3A_87 = vector.shape_cast %swap3A_86 : vector<1x16xf32> to vector<16xf32>
      %swap3A_88 = vector.shape_cast %broadcast_in_dim3A_1 : vector<16xf32> to vector<1x16xf32>
      tpu.vector_store %arg15[%swap3A, %swap3A_85], %swap3A_88 {strides = array<i32>} : memref<16x128xf32, #tpu.memory_space<vmem>>, vector<1x16xf32>,
      %swap3A_89 = arith.index_cast %scan3A_84 : i32 to index
      %swap3A_90 = arith.constant 16 : index
      %swap3A_91 = tpu.vector_load %arg15[%swap3A_89, %swap3A_90] {strides = array<i32>} : memref<16x128xf32, #tpu.memory_space<vmem>>, vector<1x16xf32>,
      %swap3A_92 = vector.shape_cast %swap3A_91 : vector<1x16xf32> to vector<16xf32>
      %swap3A_93 = vector.shape_cast %broadcast_in_dim3A_1 : vector<16xf32> to vector<1x16xf32>
      tpu.vector_store %arg15[%swap3A_89, %swap3A_90], %swap3A_93 {strides = array<i32>} : memref<16x128xf32, #tpu.memory_space<vmem>>, vector<1x16xf32>,
      %swap3A_94 = arith.index_cast %scan3A_84 : i32 to index
      %swap3A_95 = arith.constant 32 : index
      %swap3A_96 = tpu.vector_load %arg15[%swap3A_94, %swap3A_95] {strides = array<i32>} : memref<16x128xf32, #tpu.memory_space<vmem>>, vector<1x16xf32>,
      %swap3A_97 = vector.shape_cast %swap3A_96 : vector<1x16xf32> to vector<16xf32>
      %swap3A_98 = vector.shape_cast %broadcast_in_dim3A_1 : vector<16xf32> to vector<1x16xf32>
      tpu.vector_store %arg15[%swap3A_94, %swap3A_95], %swap3A_98 {strides = array<i32>} : memref<16x128xf32, #tpu.memory_space<vmem>>, vector<1x16xf32>,
      %swap3A_99 = arith.index_cast %scan3A_84 : i32 to index
      %swap3A_100 = arith.constant 48 : index
      %swap3A_101 = tpu.vector_load %arg15[%swap3A_99, %swap3A_100] {strides = array<i32>} : memref<16x128xf32, #tpu.memory_space<vmem>>, vector<1x16xf32>,
      %swap3A_102 = vector.shape_cast %swap3A_101 : vector<1x16xf32> to vector<16xf32>
      %swap3A_103 = vector.shape_cast %broadcast_in_dim3A_1 : vector<16xf32> to vector<1x16xf32>
      tpu.vector_store %arg15[%swap3A_99, %swap3A_100], %swap3A_103 {strides = array<i32>} : memref<16x128xf32, #tpu.memory_space<vmem>>, vector<1x16xf32>,
      %swap3A_104 = arith.index_cast %scan3A_84 : i32 to index
      %swap3A_105 = arith.constant 64 : index
      %swap3A_106 = tpu.vector_load %arg15[%swap3A_104, %swap3A_105] {strides = array<i32>} : memref<16x128xf32, #tpu.memory_space<vmem>>, vector<1x16xf32>,
      %swap3A_107 = vector.shape_cast %swap3A_106 : vector<1x16xf32> to vector<16xf32>
      %swap3A_108 = vector.shape_cast %broadcast_in_dim3A_1 : vector<16xf32> to vector<1x16xf32>
      tpu.vector_store %arg15[%swap3A_104, %swap3A_105], %swap3A_108 {strides = array<i32>} : memref<16x128xf32, #tpu.memory_space<vmem>>, vector<1x16xf32>,
      %swap3A_109 = arith.index_cast %scan3A_84 : i32 to index
      %swap3A_110 = arith.constant 80 : index
      %swap3A_111 = tpu.vector_load %arg15[%swap3A_109, %swap3A_110] {strides = array<i32>} : memref<16x128xf32, #tpu.memory_space<vmem>>, vector<1x16xf32>,
      %swap3A_112 = vector.shape_cast %swap3A_111 : vector<1x16xf32> to vector<16xf32>
      %swap3A_113 = vector.shape_cast %broadcast_in_dim3A_1 : vector<16xf32> to vector<1x16xf32>
      tpu.vector_store %arg15[%swap3A_109, %swap3A_110], %swap3A_113 {strides = array<i32>} : memref<16x128xf32, #tpu.memory_space<vmem>>, vector<1x16xf32>,
      %swap3A_114 = arith.index_cast %scan3A_84 : i32 to index
      %swap3A_115 = arith.constant 96 : index
      %swap3A_116 = tpu.vector_load %arg15[%swap3A_114, %swap3A_115] {strides = array<i32>} : memref<16x128xf32, #tpu.memory_space<vmem>>, vector<1x16xf32>,
      %swap3A_117 = vector.shape_cast %swap3A_116 : vector<1x16xf32> to vector<16xf32>
      %swap3A_118 = vector.shape_cast %broadcast_in_dim3A_1 : vector<16xf32> to vector<1x16xf32>
      tpu.vector_store %arg15[%swap3A_114, %swap3A_115], %swap3A_118 {strides = array<i32>} : memref<16x128xf32, #tpu.memory_space<vmem>>, vector<1x16xf32>,
      %swap3A_119 = arith.index_cast %scan3A_84 : i32 to index
      %swap3A_120 = arith.constant 112 : index
      %swap3A_121 = tpu.vector_load %arg15[%swap3A_119, %swap3A_120] {strides = array<i32>} : memref<16x128xf32, #tpu.memory_space<vmem>>, vector<1x16xf32>,
      %swap3A_122 = vector.shape_cast %swap3A_121 : vector<1x16xf32> to vector<16xf32>
      %swap3A_123 = vector.shape_cast %broadcast_in_dim3A_1 : vector<16xf32> to vector<1x16xf32>
      tpu.vector_store %arg15[%swap3A_119, %swap3A_120], %swap3A_123 {strides = array<i32>} : memref<16x128xf32, #tpu.memory_space<vmem>>, vector<1x16xf32>,
    }
    %scan3A_6 = arith.constant 16 : i32
    %scan3A_7 = arith.constant 0 : i32
    %scan3A_8 = arith.constant 0 : i32
    %scan3A_9 = arith.constant 640 : i32
    %scan3A_10 = arith.addi %scan3A_8, %scan3A_9 : i32
    %scan3A_11 = arith.constant 1 : i32
    scf.for %scan3A_84 = %scan3A_8 to %scan3A_10 step %scan3A_11  : i32 {
      %swap3A = arith.index_cast %scan3A_84 : i32 to index
      %swap3A_85 = arith.constant 0 : index
      %swap3A_86 = tpu.vector_load %arg16[%swap3A, %swap3A_85] {strides = array<i32>} : memref<640x16xf32, #tpu.memory_space<vmem>>, vector<1x16xf32>,
      %swap3A_87 = vector.shape_cast %swap3A_86 : vector<1x16xf32> to vector<16xf32>
      %swap3A_88 = vector.shape_cast %broadcast_in_dim3A_1 : vector<16xf32> to vector<1x16xf32>
      tpu.vector_store %arg16[%swap3A, %swap3A_85], %swap3A_88 {strides = array<i32>} : memref<640x16xf32, #tpu.memory_space<vmem>>, vector<1x16xf32>,
    }
    %scan3A_12 = arith.constant 640 : i32
    %eq3A = arith.constant 15 : i32
    %eq3A_13 = arith.cmpi eq, %arg1, %eq3A : i32
    %jit3A = arith.constant 640 : i32
    %jit3A_14 = arith.constant 624 : i32
    %select_n3A = arith.select %eq3A_13, %jit3A, %jit3A_14 : i32
    %jit3A_15 = arith.constant 16 : i32
    %div3A = arith.divsi %select_n3A, %jit3A_15 : i32
    %sign3A = arith.constant 0 : i32
    %sign3A_16 = arith.cmpi sgt, %select_n3A, %sign3A : i32
    %sign3A_17 = arith.extui %sign3A_16 : i1 to i32
    %sign3A_18 = arith.constant 0 : i32
    %sign3A_19 = arith.cmpi slt, %select_n3A, %sign3A_18 : i32
    %sign3A_20 = arith.extui %sign3A_19 : i1 to i32
    %sign3A_21 = arith.subi %sign3A_17, %sign3A_20 : i32
    %sign3A_22 = arith.constant 0 : i32
    %sign3A_23 = arith.cmpi sgt, %jit3A_15, %sign3A_22 : i32
    %sign3A_24 = arith.extui %sign3A_23 : i1 to i32
    %sign3A_25 = arith.constant 0 : i32
    %sign3A_26 = arith.cmpi slt, %jit3A_15, %sign3A_25 : i32
    %sign3A_27 = arith.extui %sign3A_26 : i1 to i32
    %sign3A_28 = arith.subi %sign3A_24, %sign3A_27 : i32
    %ne3A = arith.cmpi ne, %sign3A_21, %sign3A_28 : i32
    %rem3A = arith.remsi %select_n3A, %jit3A_15 : i32
    %ne3A_29 = arith.constant 0 : i32
    %ne3A_30 = arith.cmpi ne, %rem3A, %ne3A_29 : i32
    %and3A = arith.andi %ne3A, %ne3A_30 : i1
    %sub3A = arith.constant 1 : i32
    %sub3A_31 = arith.subi %div3A, %sub3A : i32
    %select_n3A_32 = arith.select %and3A, %sub3A_31, %div3A : i32
    %mul3A_33 = arith.constant 624 : i32
    %mul3A_34 = arith.muli %arg1, %mul3A_33 : i32
    %while3A = arith.constant 0 : i32
    %while3A_35 = arith.constant 0 : i32
    %while3A_36 = arith.subi %select_n3A_32, %while3A_35 : i32
    %while3A_37 = arith.addi %while3A_35, %while3A_36 : i32
    %while3A_38 = arith.constant 1 : i32
    %while3A_39 = arith.divsi %while3A_36, %while3A_38 : i32
    %while3A_40 = arith.muli %while3A_39, %while3A_38 : i32
    %while3A_41 = arith.addi %while3A_35, %while3A_40 : i32
    %while3A_42 = arith.constant 1 : i32
    scf.for %while3A_84 = %while3A_35 to %while3A_41 step %while3A_42  : i32 {
      %mul3A_85 = arith.constant 16 : i32
      %mul3A_86 = arith.muli %while3A_84, %mul3A_85 : i32
      %add3A_87 = arith.addi %mul3A_34, %mul3A_86 : i32
      "tpu.region"() ({
        %run_scoped3A = tpu.sem_alloc : memref<!tpu.dma_semaphore, #tpu.memory_space<semaphore_mem>>
        %dma_start3A = arith.constant 0 : i32
        %dma_start3A_88 = tpu.memref_slice %arg17[%add3A_87, %dma_start3A] : memref<10000x128xf32, #tpu.memory_space<vmem_shared>> -> memref<16x128xf32, #tpu.memory_space<vmem_shared>>
        %dma_start3A_89 = arith.constant 0 : i32
        %dma_start3A_90 = tpu.memref_slice %arg17[%add3A_87, %dma_start3A_89] : memref<10000x128xf32, #tpu.memory_space<vmem_shared>> -> memref<16x128xf32, #tpu.memory_space<vmem_shared>>
        tpu.enqueue_dma source(%arg15 : memref<16x128xf32, #tpu.memory_space<vmem>>) target(%dma_start3A_90 : memref<16x128xf32, #tpu.memory_space<vmem_shared>>) target_semaphore(%run_scoped3A : memref<!tpu.dma_semaphore, #tpu.memory_space<semaphore_mem>>)
        %dma_wait3A = arith.constant 0 : i32
        %dma_wait3A_91 = tpu.memref_slice %arg17[%add3A_87, %dma_wait3A] : memref<10000x128xf32, #tpu.memory_space<vmem_shared>> -> memref<16x128xf32, #tpu.memory_space<vmem_shared>>
        %dma_wait3A_92 = arith.constant 0 : i32
        %dma_wait3A_93 = tpu.memref_slice %arg17[%add3A_87, %dma_wait3A_92] : memref<10000x128xf32, #tpu.memory_space<vmem_shared>> -> memref<16x128xf32, #tpu.memory_space<vmem_shared>>
        tpu.wait_dma2 semaphore(%run_scoped3A : memref<!tpu.dma_semaphore, #tpu.memory_space<semaphore_mem>>) src(%arg15 : memref<16x128xf32, #tpu.memory_space<vmem>>) dst(%dma_wait3A_93 : memref<16x128xf32, #tpu.memory_space<vmem_shared>>)
        tpu.yield
      }) : () -> ()
    }
    %while3A_43 = arith.constant 1 : i32
    scf.for %while3A_84 = %while3A_41 to %while3A_37 step %while3A_43  : i32 {
      %mul3A_85 = arith.constant 16 : i32
      %mul3A_86 = arith.muli %while3A_84, %mul3A_85 : i32
      %add3A_87 = arith.addi %mul3A_34, %mul3A_86 : i32
      "tpu.region"() ({
        %run_scoped3A = tpu.sem_alloc : memref<!tpu.dma_semaphore, #tpu.memory_space<semaphore_mem>>
        %dma_start3A = arith.constant 0 : i32
        %dma_start3A_88 = tpu.memref_slice %arg17[%add3A_87, %dma_start3A] : memref<10000x128xf32, #tpu.memory_space<vmem_shared>> -> memref<16x128xf32, #tpu.memory_space<vmem_shared>>
        %dma_start3A_89 = arith.constant 0 : i32
        %dma_start3A_90 = tpu.memref_slice %arg17[%add3A_87, %dma_start3A_89] : memref<10000x128xf32, #tpu.memory_space<vmem_shared>> -> memref<16x128xf32, #tpu.memory_space<vmem_shared>>
        tpu.enqueue_dma source(%arg15 : memref<16x128xf32, #tpu.memory_space<vmem>>) target(%dma_start3A_90 : memref<16x128xf32, #tpu.memory_space<vmem_shared>>) target_semaphore(%run_scoped3A : memref<!tpu.dma_semaphore, #tpu.memory_space<semaphore_mem>>)
        %dma_wait3A = arith.constant 0 : i32
        %dma_wait3A_91 = tpu.memref_slice %arg17[%add3A_87, %dma_wait3A] : memref<10000x128xf32, #tpu.memory_space<vmem_shared>> -> memref<16x128xf32, #tpu.memory_space<vmem_shared>>
        %dma_wait3A_92 = arith.constant 0 : i32
        %dma_wait3A_93 = tpu.memref_slice %arg17[%add3A_87, %dma_wait3A_92] : memref<10000x128xf32, #tpu.memory_space<vmem_shared>> -> memref<16x128xf32, #tpu.memory_space<vmem_shared>>
        tpu.wait_dma2 semaphore(%run_scoped3A : memref<!tpu.dma_semaphore, #tpu.memory_space<semaphore_mem>>) src(%arg15 : memref<16x128xf32, #tpu.memory_space<vmem>>) dst(%dma_wait3A_93 : memref<16x128xf32, #tpu.memory_space<vmem_shared>>)
        tpu.yield
      }) : () -> ()
    }
    %not3A = arith.constant true
    %not3A_44 = arith.xori %eq3A_13, %not3A : i1
    %convert_element_type3A = arith.extui %not3A_44 : i1 to i32
    %cond3A = arith.constant 0 : i32
    %cond3A_45 = arith.cmpi ne, %convert_element_type3A, %cond3A : i32
    scf.if %cond3A_45 {
      "tpu.region"() ({
        %run_scoped3A = tpu.sem_alloc : memref<!tpu.dma_semaphore, #tpu.memory_space<semaphore_mem>>
        %dma_start3A = arith.constant 0 : i32
        %dma_start3A_84 = arith.constant 0 : i32
        %dma_start3A_85 = tpu.memref_slice %arg16[%dma_start3A, %dma_start3A_84] : memref<640x16xf32, #tpu.memory_space<vmem>> -> memref<624x16xf32, #tpu.memory_space<vmem>>
        %dma_start3A_86 = arith.constant 0 : i32
        %dma_start3A_87 = tpu.memref_slice %arg18[%mul3A_34, %dma_start3A_86] : memref<10000x16xf32, #tpu.memory_space<vmem_shared>> -> memref<624x16xf32, #tpu.memory_space<vmem_shared>>
        %dma_start3A_88 = arith.constant 0 : i32
        %dma_start3A_89 = tpu.memref_slice %arg18[%mul3A_34, %dma_start3A_88] : memref<10000x16xf32, #tpu.memory_space<vmem_shared>> -> memref<624x16xf32, #tpu.memory_space<vmem_shared>>
        %dma_start3A_90 = arith.constant 0 : i32
        %dma_start3A_91 = arith.constant 0 : i32
        %dma_start3A_92 = tpu.memref_slice %arg16[%dma_start3A_90, %dma_start3A_91] : memref<640x16xf32, #tpu.memory_space<vmem>> -> memref<624x16xf32, #tpu.memory_space<vmem>>
        tpu.enqueue_dma source(%dma_start3A_92 : memref<624x16xf32, #tpu.memory_space<vmem>>) target(%dma_start3A_89 : memref<624x16xf32, #tpu.memory_space<vmem_shared>>) target_semaphore(%run_scoped3A : memref<!tpu.dma_semaphore, #tpu.memory_space<semaphore_mem>>)
        %dma_wait3A = arith.constant 0 : i32
        %dma_wait3A_93 = arith.constant 0 : i32
        %dma_wait3A_94 = tpu.memref_slice %arg16[%dma_wait3A, %dma_wait3A_93] : memref<640x16xf32, #tpu.memory_space<vmem>> -> memref<624x16xf32, #tpu.memory_space<vmem>>
        %dma_wait3A_95 = arith.constant 0 : i32
        %dma_wait3A_96 = tpu.memref_slice %arg18[%mul3A_34, %dma_wait3A_95] : memref<10000x16xf32, #tpu.memory_space<vmem_shared>> -> memref<624x16xf32, #tpu.memory_space<vmem_shared>>
        %dma_wait3A_97 = arith.constant 0 : i32
        %dma_wait3A_98 = tpu.memref_slice %arg18[%mul3A_34, %dma_wait3A_97] : memref<10000x16xf32, #tpu.memory_space<vmem_shared>> -> memref<624x16xf32, #tpu.memory_space<vmem_shared>>
        %dma_wait3A_99 = arith.constant 0 : i32
        %dma_wait3A_100 = arith.constant 0 : i32
        %dma_wait3A_101 = tpu.memref_slice %arg16[%dma_wait3A_99, %dma_wait3A_100] : memref<640x16xf32, #tpu.memory_space<vmem>> -> memref<624x16xf32, #tpu.memory_space<vmem>>
        tpu.wait_dma2 semaphore(%run_scoped3A : memref<!tpu.dma_semaphore, #tpu.memory_space<semaphore_mem>>) src(%dma_wait3A_101 : memref<624x16xf32, #tpu.memory_space<vmem>>) dst(%dma_wait3A_98 : memref<624x16xf32, #tpu.memory_space<vmem_shared>>)
        tpu.yield
      }) : () -> ()
    } else {
    }
    %convert_element_type3A_46 = arith.extui %eq3A_13 : i1 to i32
    %cond3A_47 = arith.constant 0 : i32
    %cond3A_48 = arith.cmpi ne, %convert_element_type3A_46, %cond3A_47 : i32
    scf.if %cond3A_48 {
      "tpu.region"() ({
        %run_scoped3A = tpu.sem_alloc : memref<!tpu.dma_semaphore, #tpu.memory_space<semaphore_mem>>
        %dma_start3A = arith.constant 0 : i32
        %dma_start3A_84 = tpu.memref_slice %arg18[%mul3A_34, %dma_start3A] : memref<10000x16xf32, #tpu.memory_space<vmem_shared>> -> memref<640x16xf32, #tpu.memory_space<vmem_shared>>
        %dma_start3A_85 = arith.constant 0 : i32
        %dma_start3A_86 = tpu.memref_slice %arg18[%mul3A_34, %dma_start3A_85] : memref<10000x16xf32, #tpu.memory_space<vmem_shared>> -> memref<640x16xf32, #tpu.memory_space<vmem_shared>>
        tpu.enqueue_dma source(%arg16 : memref<640x16xf32, #tpu.memory_space<vmem>>) target(%dma_start3A_86 : memref<640x16xf32, #tpu.memory_space<vmem_shared>>) target_semaphore(%run_scoped3A : memref<!tpu.dma_semaphore, #tpu.memory_space<semaphore_mem>>)
        %dma_wait3A = arith.constant 0 : i32
        %dma_wait3A_87 = tpu.memref_slice %arg18[%mul3A_34, %dma_wait3A] : memref<10000x16xf32, #tpu.memory_space<vmem_shared>> -> memref<640x16xf32, #tpu.memory_space<vmem_shared>>
        %dma_wait3A_88 = arith.constant 0 : i32
        %dma_wait3A_89 = tpu.memref_slice %arg18[%mul3A_34, %dma_wait3A_88] : memref<10000x16xf32, #tpu.memory_space<vmem_shared>> -> memref<640x16xf32, #tpu.memory_space<vmem_shared>>
        tpu.wait_dma2 semaphore(%run_scoped3A : memref<!tpu.dma_semaphore, #tpu.memory_space<semaphore_mem>>) src(%arg16 : memref<640x16xf32, #tpu.memory_space<vmem>>) dst(%dma_wait3A_89 : memref<640x16xf32, #tpu.memory_space<vmem_shared>>)
        tpu.yield
      }) : () -> ()
    } else {
    }
    %barrier3A = arith.constant 0 : index
    tpu.barrier barrier_id(%barrier3A)
    %iota3A = tpu.iota {dimensions = array<i32: 0>} : vector<16xi32>
    %and3A_49 = arith.constant 7 : i32
    %and3A_50 = vector.broadcast %and3A_49 : i32 to vector<16xi32>
    %and3A_51 = arith.andi %iota3A, %and3A_50 : vector<16xi32>
    %add3A_52 = arith.constant 8 : i32
    %add3A_53 = vector.broadcast %add3A_52 : i32 to vector<16xi32>
    %add3A_54 = arith.addi %and3A_51, %add3A_53 : vector<16xi32>
    %lt3A = arith.constant 8 : i32
    %lt3A_55 = vector.broadcast %lt3A : i32 to vector<16xi32>
    %lt3A_56 = arith.cmpi slt, %iota3A, %lt3A_55 : vector<16xi32>
    %mul3A_57 = arith.constant 10000 : i32
    %mul3A_58 = arith.muli %add3A, %mul3A_57 : i32
    %scan3A_59 = arith.constant 0 : i32
    %scan3A_60 = arith.constant 0 : i32
    %scan3A_61 = arith.constant 125 : i32
    %scan3A_62 = arith.addi %scan3A_60, %scan3A_61 : i32
    %scan3A_63 = arith.constant 1 : i32
    scf.for %scan3A_84 = %scan3A_60 to %scan3A_62 step %scan3A_63  : i32 {
      %mul3A_85 = arith.constant 80 : i32
      %mul3A_86 = arith.muli %scan3A_84, %mul3A_85 : i32
      %add3A_87 = arith.addi %mul3A_58, %mul3A_86 : i32
      "tpu.region"() ({
        %run_scoped3A = tpu.sem_alloc : memref<!tpu.dma_semaphore, #tpu.memory_space<semaphore_mem>>
        %dma_start3A_192 = tpu.memref_slice %arg2[%add3A_87] : memref<320000xi32, #tpu.memory_space<hbm>> -> memref<80xi32, #tpu.memory_space<hbm>>
        %dma_start3A_193 = tpu.memref_slice %arg2[%add3A_87] : memref<320000xi32, #tpu.memory_space<hbm>> -> memref<80xi32, #tpu.memory_space<hbm>>
        tpu.enqueue_dma source(%dma_start3A_193 : memref<80xi32, #tpu.memory_space<hbm>>) target(%arg7 : memref<80xi32, #tpu.memory_space<vmem>>) target_semaphore(%run_scoped3A : memref<!tpu.dma_semaphore, #tpu.memory_space<semaphore_mem>>)
        %dma_wait3A_194 = tpu.memref_slice %arg2[%add3A_87] : memref<320000xi32, #tpu.memory_space<hbm>> -> memref<80xi32, #tpu.memory_space<hbm>>
        %dma_wait3A_195 = tpu.memref_slice %arg2[%add3A_87] : memref<320000xi32, #tpu.memory_space<hbm>> -> memref<80xi32, #tpu.memory_space<hbm>>
        tpu.wait_dma2 semaphore(%run_scoped3A : memref<!tpu.dma_semaphore, #tpu.memory_space<semaphore_mem>>) src(%dma_wait3A_195 : memref<80xi32, #tpu.memory_space<hbm>>) dst(%arg7 : memref<80xi32, #tpu.memory_space<vmem>>)
        tpu.yield
      }) : () -> ()
      %get3A = arith.constant 0 : index
      %get3A_88 = tpu.vector_load %arg7[%get3A] {strides = array<i32>} : memref<80xi32, #tpu.memory_space<vmem>>, vector<16xi32>,
      %get3A_89 = vector.shape_cast %get3A_88 : vector<16xi32> to vector<16xi32>
      %and3A_90 = arith.constant 65535 : i32
      %and3A_91 = vector.broadcast %and3A_90 : i32 to vector<16xi32>
      %and3A_92 = arith.andi %get3A_89, %and3A_91 : vector<16xi32>
      %swap3A = arith.constant 0 : index
      %swap3A_93 = tpu.vector_load %arg8[%swap3A] {strides = array<i32>} : memref<80xi32, #tpu.memory_space<vmem>>, vector<16xi32>,
      %swap3A_94 = vector.shape_cast %swap3A_93 : vector<16xi32> to vector<16xi32>
      %swap3A_95 = vector.shape_cast %and3A_92 : vector<16xi32> to vector<16xi32>
      tpu.vector_store %arg8[%swap3A], %swap3A_95 {strides = array<i32>} : memref<80xi32, #tpu.memory_space<vmem>>, vector<16xi32>,
      %shift_right_arithmetic3A = arith.constant 16 : i32
      %shift_right_arithmetic3A_96 = vector.broadcast %shift_right_arithmetic3A : i32 to vector<16xi32>
      %shift_right_arithmetic3A_97 = arith.shrsi %get3A_89, %shift_right_arithmetic3A_96 : vector<16xi32>
      %swap3A_98 = arith.constant 0 : index
      %swap3A_99 = tpu.vector_load %arg9[%swap3A_98] {strides = array<i32>} : memref<80xi32, #tpu.memory_space<vmem>>, vector<16xi32>,
      %swap3A_100 = vector.shape_cast %swap3A_99 : vector<16xi32> to vector<16xi32>
      %swap3A_101 = vector.shape_cast %shift_right_arithmetic3A_97 : vector<16xi32> to vector<16xi32>
      tpu.vector_store %arg9[%swap3A_98], %swap3A_101 {strides = array<i32>} : memref<80xi32, #tpu.memory_space<vmem>>, vector<16xi32>,
      %get3A_102 = arith.constant 16 : index
      %get3A_103 = tpu.vector_load %arg7[%get3A_102] {strides = array<i32>} : memref<80xi32, #tpu.memory_space<vmem>>, vector<16xi32>,
      %get3A_104 = vector.shape_cast %get3A_103 : vector<16xi32> to vector<16xi32>
      %and3A_105 = arith.constant 65535 : i32
      %and3A_106 = vector.broadcast %and3A_105 : i32 to vector<16xi32>
      %and3A_107 = arith.andi %get3A_104, %and3A_106 : vector<16xi32>
      %swap3A_108 = arith.constant 16 : index
      %swap3A_109 = tpu.vector_load %arg8[%swap3A_108] {strides = array<i32>} : memref<80xi32, #tpu.memory_space<vmem>>, vector<16xi32>,
      %swap3A_110 = vector.shape_cast %swap3A_109 : vector<16xi32> to vector<16xi32>
      %swap3A_111 = vector.shape_cast %and3A_107 : vector<16xi32> to vector<16xi32>
      tpu.vector_store %arg8[%swap3A_108], %swap3A_111 {strides = array<i32>} : memref<80xi32, #tpu.memory_space<vmem>>, vector<16xi32>,
      %shift_right_arithmetic3A_112 = arith.constant 16 : i32
      %shift_right_arithmetic3A_113 = vector.broadcast %shift_right_arithmetic3A_112 : i32 to vector<16xi32>
      %shift_right_arithmetic3A_114 = arith.shrsi %get3A_104, %shift_right_arithmetic3A_113 : vector<16xi32>
      %swap3A_115 = arith.constant 16 : index
      %swap3A_116 = tpu.vector_load %arg9[%swap3A_115] {strides = array<i32>} : memref<80xi32, #tpu.memory_space<vmem>>, vector<16xi32>,
      %swap3A_117 = vector.shape_cast %swap3A_116 : vector<16xi32> to vector<16xi32>
      %swap3A_118 = vector.shape_cast %shift_right_arithmetic3A_114 : vector<16xi32> to vector<16xi32>
      tpu.vector_store %arg9[%swap3A_115], %swap3A_118 {strides = array<i32>} : memref<80xi32, #tpu.memory_space<vmem>>, vector<16xi32>,
      %get3A_119 = arith.constant 32 : index
      %get3A_120 = tpu.vector_load %arg7[%get3A_119] {strides = array<i32>} : memref<80xi32, #tpu.memory_space<vmem>>, vector<16xi32>,
      %get3A_121 = vector.shape_cast %get3A_120 : vector<16xi32> to vector<16xi32>
      %and3A_122 = arith.constant 65535 : i32
      %and3A_123 = vector.broadcast %and3A_122 : i32 to vector<16xi32>
      %and3A_124 = arith.andi %get3A_121, %and3A_123 : vector<16xi32>
      %swap3A_125 = arith.constant 32 : index
      %swap3A_126 = tpu.vector_load %arg8[%swap3A_125] {strides = array<i32>} : memref<80xi32, #tpu.memory_space<vmem>>, vector<16xi32>,
      %swap3A_127 = vector.shape_cast %swap3A_126 : vector<16xi32> to vector<16xi32>
      %swap3A_128 = vector.shape_cast %and3A_124 : vector<16xi32> to vector<16xi32>
      tpu.vector_store %arg8[%swap3A_125], %swap3A_128 {strides = array<i32>} : memref<80xi32, #tpu.memory_space<vmem>>, vector<16xi32>,
      %shift_right_arithmetic3A_129 = arith.constant 16 : i32
      %shift_right_arithmetic3A_130 = vector.broadcast %shift_right_arithmetic3A_129 : i32 to vector<16xi32>
      %shift_right_arithmetic3A_131 = arith.shrsi %get3A_121, %shift_right_arithmetic3A_130 : vector<16xi32>
      %swap3A_132 = arith.constant 32 : index
      %swap3A_133 = tpu.vector_load %arg9[%swap3A_132] {strides = array<i32>} : memref<80xi32, #tpu.memory_space<vmem>>, vector<16xi32>,
      %swap3A_134 = vector.shape_cast %swap3A_133 : vector<16xi32> to vector<16xi32>
      %swap3A_135 = vector.shape_cast %shift_right_arithmetic3A_131 : vector<16xi32> to vector<16xi32>
      tpu.vector_store %arg9[%swap3A_132], %swap3A_135 {strides = array<i32>} : memref<80xi32, #tpu.memory_space<vmem>>, vector<16xi32>,
      %get3A_136 = arith.constant 48 : index
      %get3A_137 = tpu.vector_load %arg7[%get3A_136] {strides = array<i32>} : memref<80xi32, #tpu.memory_space<vmem>>, vector<16xi32>,
      %get3A_138 = vector.shape_cast %get3A_137 : vector<16xi32> to vector<16xi32>
      %and3A_139 = arith.constant 65535 : i32
      %and3A_140 = vector.broadcast %and3A_139 : i32 to vector<16xi32>
      %and3A_141 = arith.andi %get3A_138, %and3A_140 : vector<16xi32>
      %swap3A_142 = arith.constant 48 : index
      %swap3A_143 = tpu.vector_load %arg8[%swap3A_142] {strides = array<i32>} : memref<80xi32, #tpu.memory_space<vmem>>, vector<16xi32>,
      %swap3A_144 = vector.shape_cast %swap3A_143 : vector<16xi32> to vector<16xi32>
      %swap3A_145 = vector.shape_cast %and3A_141 : vector<16xi32> to vector<16xi32>
      tpu.vector_store %arg8[%swap3A_142], %swap3A_145 {strides = array<i32>} : memref<80xi32, #tpu.memory_space<vmem>>, vector<16xi32>,
      %shift_right_arithmetic3A_146 = arith.constant 16 : i32
      %shift_right_arithmetic3A_147 = vector.broadcast %shift_right_arithmetic3A_146 : i32 to vector<16xi32>
      %shift_right_arithmetic3A_148 = arith.shrsi %get3A_138, %shift_right_arithmetic3A_147 : vector<16xi32>
      %swap3A_149 = arith.constant 48 : index
      %swap3A_150 = tpu.vector_load %arg9[%swap3A_149] {strides = array<i32>} : memref<80xi32, #tpu.memory_space<vmem>>, vector<16xi32>,
      %swap3A_151 = vector.shape_cast %swap3A_150 : vector<16xi32> to vector<16xi32>
      %swap3A_152 = vector.shape_cast %shift_right_arithmetic3A_148 : vector<16xi32> to vector<16xi32>
      tpu.vector_store %arg9[%swap3A_149], %swap3A_152 {strides = array<i32>} : memref<80xi32, #tpu.memory_space<vmem>>, vector<16xi32>,
      %get3A_153 = arith.constant 64 : index
      %get3A_154 = tpu.vector_load %arg7[%get3A_153] {strides = array<i32>} : memref<80xi32, #tpu.memory_space<vmem>>, vector<16xi32>,
      %get3A_155 = vector.shape_cast %get3A_154 : vector<16xi32> to vector<16xi32>
      %and3A_156 = arith.constant 65535 : i32
      %and3A_157 = vector.broadcast %and3A_156 : i32 to vector<16xi32>
      %and3A_158 = arith.andi %get3A_155, %and3A_157 : vector<16xi32>
      %swap3A_159 = arith.constant 64 : index
      %swap3A_160 = tpu.vector_load %arg8[%swap3A_159] {strides = array<i32>} : memref<80xi32, #tpu.memory_space<vmem>>, vector<16xi32>,
      %swap3A_161 = vector.shape_cast %swap3A_160 : vector<16xi32> to vector<16xi32>
      %swap3A_162 = vector.shape_cast %and3A_158 : vector<16xi32> to vector<16xi32>
      tpu.vector_store %arg8[%swap3A_159], %swap3A_162 {strides = array<i32>} : memref<80xi32, #tpu.memory_space<vmem>>, vector<16xi32>,
      %shift_right_arithmetic3A_163 = arith.constant 16 : i32
      %shift_right_arithmetic3A_164 = vector.broadcast %shift_right_arithmetic3A_163 : i32 to vector<16xi32>
      %shift_right_arithmetic3A_165 = arith.shrsi %get3A_155, %shift_right_arithmetic3A_164 : vector<16xi32>
      %swap3A_166 = arith.constant 64 : index
      %swap3A_167 = tpu.vector_load %arg9[%swap3A_166] {strides = array<i32>} : memref<80xi32, #tpu.memory_space<vmem>>, vector<16xi32>,
      %swap3A_168 = vector.shape_cast %swap3A_167 : vector<16xi32> to vector<16xi32>
      %swap3A_169 = vector.shape_cast %shift_right_arithmetic3A_165 : vector<16xi32> to vector<16xi32>
      tpu.vector_store %arg9[%swap3A_166], %swap3A_169 {strides = array<i32>} : memref<80xi32, #tpu.memory_space<vmem>>, vector<16xi32>,
      %dma_start3A = arith.constant 0 : i32
      %dma_start3A_170 = arith.constant 0 : i32
      %dma_start3A_171 = tpu.memref_slice %arg4[%dma_start3A, %dma_start3A_170] : memref<10000x16xf32, #tpu.memory_space<hbm>> -> memref<10000x16xf32, #tpu.memory_space<hbm>>
      tpu.enqueue_indirect_dma source(%dma_start3A_171 : memref<10000x16xf32, #tpu.memory_space<hbm>>) target(%arg10 : memref<80x16xf32, #tpu.memory_space<vmem>>) offsets(%arg8 : memref<80xi32, #tpu.memory_space<vmem>>) semaphore(%arg19 : memref<!tpu.dma_semaphore, #tpu.memory_space<semaphore_mem>>)
      %dma_wait3A = arith.constant 0 : i32
      %dma_wait3A_172 = arith.constant 0 : i32
      %dma_wait3A_173 = tpu.memref_slice %arg4[%dma_wait3A, %dma_wait3A_172] : memref<10000x16xf32, #tpu.memory_space<hbm>> -> memref<10000x16xf32, #tpu.memory_space<hbm>>
      tpu.wait_indirect_dma semaphore(%arg19 : memref<!tpu.dma_semaphore, #tpu.memory_space<semaphore_mem>>) src(%dma_wait3A_173 : memref<10000x16xf32, #tpu.memory_space<hbm>>) dst(%arg10 : memref<80x16xf32, #tpu.memory_space<vmem>>)
      %dma_start3A_174 = arith.constant 0 : i32
      %dma_start3A_175 = arith.constant 0 : i32
      %dma_start3A_176 = tpu.memref_slice %arg4[%dma_start3A_174, %dma_start3A_175] : memref<10000x16xf32, #tpu.memory_space<hbm>> -> memref<10000x16xf32, #tpu.memory_space<hbm>>
      tpu.enqueue_indirect_dma source(%dma_start3A_176 : memref<10000x16xf32, #tpu.memory_space<hbm>>) target(%arg11 : memref<80x16xf32, #tpu.memory_space<vmem>>) offsets(%arg9 : memref<80xi32, #tpu.memory_space<vmem>>) semaphore(%arg19 : memref<!tpu.dma_semaphore, #tpu.memory_space<semaphore_mem>>)
      %dma_wait3A_177 = arith.constant 0 : i32
      %dma_wait3A_178 = arith.constant 0 : i32
      %dma_wait3A_179 = tpu.memref_slice %arg4[%dma_wait3A_177, %dma_wait3A_178] : memref<10000x16xf32, #tpu.memory_space<hbm>> -> memref<10000x16xf32, #tpu.memory_space<hbm>>
      tpu.wait_indirect_dma semaphore(%arg19 : memref<!tpu.dma_semaphore, #tpu.memory_space<semaphore_mem>>) src(%dma_wait3A_179 : memref<10000x16xf32, #tpu.memory_space<hbm>>) dst(%arg11 : memref<80x16xf32, #tpu.memory_space<vmem>>)
      %dma_start3A_180 = arith.constant 0 : i32
      %dma_start3A_181 = arith.constant 0 : i32
      %dma_start3A_182 = tpu.memref_slice %arg3[%dma_start3A_180, %dma_start3A_181] : memref<10000x128xf32, #tpu.memory_space<hbm>> -> memref<10000x128xf32, #tpu.memory_space<hbm>>
      tpu.enqueue_indirect_dma source(%dma_start3A_182 : memref<10000x128xf32, #tpu.memory_space<hbm>>) target(%arg12 : memref<80x128xf32, #tpu.memory_space<vmem>>) offsets(%arg8 : memref<80xi32, #tpu.memory_space<vmem>>) semaphore(%arg19 : memref<!tpu.dma_semaphore, #tpu.memory_space<semaphore_mem>>)
      %dma_wait3A_183 = arith.constant 0 : i32
      %dma_wait3A_184 = arith.constant 0 : i32
      %dma_wait3A_185 = tpu.memref_slice %arg3[%dma_wait3A_183, %dma_wait3A_184] : memref<10000x128xf32, #tpu.memory_space<hbm>> -> memref<10000x128xf32, #tpu.memory_space<hbm>>
      tpu.wait_indirect_dma semaphore(%arg19 : memref<!tpu.dma_semaphore, #tpu.memory_space<semaphore_mem>>) src(%dma_wait3A_185 : memref<10000x128xf32, #tpu.memory_space<hbm>>) dst(%arg12 : memref<80x128xf32, #tpu.memory_space<vmem>>)
      %scan3A_186 = arith.constant 0 : i32
      %scan3A_187 = arith.constant 0 : i32
      %scan3A_188 = arith.constant 80 : i32
      %scan3A_189 = arith.addi %scan3A_187, %scan3A_188 : i32
      %scan3A_190 = arith.constant 1 : i32
      scf.for %scan3A_192 = %scan3A_187 to %scan3A_189 step %scan3A_190  : i32 {
        %get3A_193 = arith.index_cast %scan3A_192 : i32 to index
        %get3A_194 = arith.constant 0 : index
        %get3A_195 = tpu.vector_load %arg10[%get3A_193, %get3A_194] {strides = array<i32>} : memref<80x16xf32, #tpu.memory_space<vmem>>, vector<1x16xf32>,
        %get3A_196 = vector.shape_cast %get3A_195 : vector<1x16xf32> to vector<16xf32>
        %get3A_197 = arith.index_cast %scan3A_192 : i32 to index
        %get3A_198 = arith.constant 0 : index
        %get3A_199 = tpu.vector_load %arg11[%get3A_197, %get3A_198] {strides = array<i32>} : memref<80x16xf32, #tpu.memory_space<vmem>>, vector<1x16xf32>,
        %get3A_200 = vector.shape_cast %get3A_199 : vector<1x16xf32> to vector<16xf32>
        %broadcast_in_dim3A_201 = vector.shape_cast %add3A_54 : vector<16xi32> to vector<16x1xi32>
        %gather3A = vector.shape_cast %broadcast_in_dim3A_201 : vector<16x1xi32> to vector<16xi32>
        %gather3A_202 = tpu.dynamic_gather %get3A_200[%gather3A] in [0] : vector<16xf32>, vector<16xi32> -> vector<16xf32>
        %add3A_203 = arith.addf %get3A_196, %gather3A_202 : vector<16xf32>
        %gt3A = arith.constant 0.000000e+00 : f32
        %gt3A_204 = vector.broadcast %gt3A : f32 to vector<16xf32>
        %gt3A_205 = arith.cmpf ogt, %add3A_203, %gt3A_204 : vector<16xf32>
        %mul3A_206 = arith.constant 2.000000e-01 : f32
        %mul3A_207 = vector.broadcast %mul3A_206 : f32 to vector<16xf32>
        %mul3A_208 = arith.mulf %mul3A_207, %add3A_203 : vector<16xf32>
        %select_n3A_209 = arith.select %gt3A_205, %add3A_203, %mul3A_208 : vector<16xi1>, vector<16xf32>
        %exp3A = math.exp %select_n3A_209 : vector<16xf32>
        %jit3A_210 = arith.constant 0.000000e+00 : f32
        %broadcast_in_dim3A_211 = vector.broadcast %jit3A_210 : f32 to vector<16xf32>
        %select_n3A_212 = arith.select %lt3A_56, %exp3A, %broadcast_in_dim3A_211 : vector<16xi1>, vector<16xf32>
        %swap3A_213 = arith.index_cast %scan3A_192 : i32 to index
        %swap3A_214 = arith.constant 0 : index
        %swap3A_215 = tpu.vector_load %arg14[%swap3A_213, %swap3A_214] {strides = array<i32>} : memref<80x16xf32, #tpu.memory_space<vmem>>, vector<1x16xf32>,
        %swap3A_216 = vector.shape_cast %swap3A_215 : vector<1x16xf32> to vector<16xf32>
        %swap3A_217 = vector.shape_cast %select_n3A_212 : vector<16xf32> to vector<1x16xf32>
        tpu.vector_store %arg14[%swap3A_213, %swap3A_214], %swap3A_217 {strides = array<i32>} : memref<80x16xf32, #tpu.memory_space<vmem>>, vector<1x16xf32>,
        %broadcast_in_dim3A_218 = arith.constant 0 : i32
        %broadcast_in_dim3A_219 = vector.broadcast %broadcast_in_dim3A_218 : i32 to vector<16xi32>
        %broadcast_in_dim3A_220 = vector.shape_cast %broadcast_in_dim3A_219 : vector<16xi32> to vector<16x1xi32>
        %gather3A_221 = vector.shape_cast %broadcast_in_dim3A_220 : vector<16x1xi32> to vector<16xi32>
        %gather3A_222 = tpu.dynamic_gather %select_n3A_212[%gather3A_221] in [0] : vector<16xf32>, vector<16xi32> -> vector<16xf32>
        %get3A_223 = arith.index_cast %scan3A_192 : i32 to index
        %get3A_224 = arith.constant 0 : index
        %get3A_225 = tpu.vector_load %arg12[%get3A_223, %get3A_224] {strides = array<i32>} : memref<80x128xf32, #tpu.memory_space<vmem>>, vector<1x16xf32>,
        %get3A_226 = vector.shape_cast %get3A_225 : vector<1x16xf32> to vector<16xf32>
        %mul3A_227 = arith.mulf %gather3A_222, %get3A_226 : vector<16xf32>
        %swap3A_228 = arith.index_cast %scan3A_192 : i32 to index
        %swap3A_229 = arith.constant 0 : index
        %swap3A_230 = tpu.vector_load %arg13[%swap3A_228, %swap3A_229] {strides = array<i32>} : memref<80x128xf32, #tpu.memory_space<vmem>>, vector<1x16xf32>,
        %swap3A_231 = vector.shape_cast %swap3A_230 : vector<1x16xf32> to vector<16xf32>
        %swap3A_232 = vector.shape_cast %mul3A_227 : vector<16xf32> to vector<1x16xf32>
        tpu.vector_store %arg13[%swap3A_228, %swap3A_229], %swap3A_232 {strides = array<i32>} : memref<80x128xf32, #tpu.memory_space<vmem>>, vector<1x16xf32>,
        %broadcast_in_dim3A_233 = arith.constant 1 : i32
        %broadcast_in_dim3A_234 = vector.broadcast %broadcast_in_dim3A_233 : i32 to vector<16xi32>
        %broadcast_in_dim3A_235 = vector.shape_cast %broadcast_in_dim3A_234 : vector<16xi32> to vector<16x1xi32>
        %gather3A_236 = vector.shape_cast %broadcast_in_dim3A_235 : vector<16x1xi32> to vector<16xi32>
        %gather3A_237 = tpu.dynamic_gather %select_n3A_212[%gather3A_236] in [0] : vector<16xf32>, vector<16xi32> -> vector<16xf32>
        %get3A_238 = arith.index_cast %scan3A_192 : i32 to index
        %get3A_239 = arith.constant 16 : index
        %get3A_240 = tpu.vector_load %arg12[%get3A_238, %get3A_239] {strides = array<i32>} : memref<80x128xf32, #tpu.memory_space<vmem>>, vector<1x16xf32>,
        %get3A_241 = vector.shape_cast %get3A_240 : vector<1x16xf32> to vector<16xf32>
        %mul3A_242 = arith.mulf %gather3A_237, %get3A_241 : vector<16xf32>
        %swap3A_243 = arith.index_cast %scan3A_192 : i32 to index
        %swap3A_244 = arith.constant 16 : index
        %swap3A_245 = tpu.vector_load %arg13[%swap3A_243, %swap3A_244] {strides = array<i32>} : memref<80x128xf32, #tpu.memory_space<vmem>>, vector<1x16xf32>,
        %swap3A_246 = vector.shape_cast %swap3A_245 : vector<1x16xf32> to vector<16xf32>
        %swap3A_247 = vector.shape_cast %mul3A_242 : vector<16xf32> to vector<1x16xf32>
        tpu.vector_store %arg13[%swap3A_243, %swap3A_244], %swap3A_247 {strides = array<i32>} : memref<80x128xf32, #tpu.memory_space<vmem>>, vector<1x16xf32>,
        %broadcast_in_dim3A_248 = arith.constant 2 : i32
        %broadcast_in_dim3A_249 = vector.broadcast %broadcast_in_dim3A_248 : i32 to vector<16xi32>
        %broadcast_in_dim3A_250 = vector.shape_cast %broadcast_in_dim3A_249 : vector<16xi32> to vector<16x1xi32>
        %gather3A_251 = vector.shape_cast %broadcast_in_dim3A_250 : vector<16x1xi32> to vector<16xi32>
        %gather3A_252 = tpu.dynamic_gather %select_n3A_212[%gather3A_251] in [0] : vector<16xf32>, vector<16xi32> -> vector<16xf32>
        %get3A_253 = arith.index_cast %scan3A_192 : i32 to index
        %get3A_254 = arith.constant 32 : index
        %get3A_255 = tpu.vector_load %arg12[%get3A_253, %get3A_254] {strides = array<i32>} : memref<80x128xf32, #tpu.memory_space<vmem>>, vector<1x16xf32>,
        %get3A_256 = vector.shape_cast %get3A_255 : vector<1x16xf32> to vector<16xf32>
        %mul3A_257 = arith.mulf %gather3A_252, %get3A_256 : vector<16xf32>
        %swap3A_258 = arith.index_cast %scan3A_192 : i32 to index
        %swap3A_259 = arith.constant 32 : index
        %swap3A_260 = tpu.vector_load %arg13[%swap3A_258, %swap3A_259] {strides = array<i32>} : memref<80x128xf32, #tpu.memory_space<vmem>>, vector<1x16xf32>,
        %swap3A_261 = vector.shape_cast %swap3A_260 : vector<1x16xf32> to vector<16xf32>
        %swap3A_262 = vector.shape_cast %mul3A_257 : vector<16xf32> to vector<1x16xf32>
        tpu.vector_store %arg13[%swap3A_258, %swap3A_259], %swap3A_262 {strides = array<i32>} : memref<80x128xf32, #tpu.memory_space<vmem>>, vector<1x16xf32>,
        %broadcast_in_dim3A_263 = arith.constant 3 : i32
        %broadcast_in_dim3A_264 = vector.broadcast %broadcast_in_dim3A_263 : i32 to vector<16xi32>
        %broadcast_in_dim3A_265 = vector.shape_cast %broadcast_in_dim3A_264 : vector<16xi32> to vector<16x1xi32>
        %gather3A_266 = vector.shape_cast %broadcast_in_dim3A_265 : vector<16x1xi32> to vector<16xi32>
        %gather3A_267 = tpu.dynamic_gather %select_n3A_212[%gather3A_266] in [0] : vector<16xf32>, vector<16xi32> -> vector<16xf32>
        %get3A_268 = arith.index_cast %scan3A_192 : i32 to index
        %get3A_269 = arith.constant 48 : index
        %get3A_270 = tpu.vector_load %arg12[%get3A_268, %get3A_269] {strides = array<i32>} : memref<80x128xf32, #tpu.memory_space<vmem>>, vector<1x16xf32>,
        %get3A_271 = vector.shape_cast %get3A_270 : vector<1x16xf32> to vector<16xf32>
        %mul3A_272 = arith.mulf %gather3A_267, %get3A_271 : vector<16xf32>
        %swap3A_273 = arith.index_cast %scan3A_192 : i32 to index
        %swap3A_274 = arith.constant 48 : index
        %swap3A_275 = tpu.vector_load %arg13[%swap3A_273, %swap3A_274] {strides = array<i32>} : memref<80x128xf32, #tpu.memory_space<vmem>>, vector<1x16xf32>,
        %swap3A_276 = vector.shape_cast %swap3A_275 : vector<1x16xf32> to vector<16xf32>
        %swap3A_277 = vector.shape_cast %mul3A_272 : vector<16xf32> to vector<1x16xf32>
        tpu.vector_store %arg13[%swap3A_273, %swap3A_274], %swap3A_277 {strides = array<i32>} : memref<80x128xf32, #tpu.memory_space<vmem>>, vector<1x16xf32>,
        %broadcast_in_dim3A_278 = arith.constant 4 : i32
        %broadcast_in_dim3A_279 = vector.broadcast %broadcast_in_dim3A_278 : i32 to vector<16xi32>
        %broadcast_in_dim3A_280 = vector.shape_cast %broadcast_in_dim3A_279 : vector<16xi32> to vector<16x1xi32>
        %gather3A_281 = vector.shape_cast %broadcast_in_dim3A_280 : vector<16x1xi32> to vector<16xi32>
        %gather3A_282 = tpu.dynamic_gather %select_n3A_212[%gather3A_281] in [0] : vector<16xf32>, vector<16xi32> -> vector<16xf32>
        %get3A_283 = arith.index_cast %scan3A_192 : i32 to index
        %get3A_284 = arith.constant 64 : index
        %get3A_285 = tpu.vector_load %arg12[%get3A_283, %get3A_284] {strides = array<i32>} : memref<80x128xf32, #tpu.memory_space<vmem>>, vector<1x16xf32>,
        %get3A_286 = vector.shape_cast %get3A_285 : vector<1x16xf32> to vector<16xf32>
        %mul3A_287 = arith.mulf %gather3A_282, %get3A_286 : vector<16xf32>
        %swap3A_288 = arith.index_cast %scan3A_192 : i32 to index
        %swap3A_289 = arith.constant 64 : index
        %swap3A_290 = tpu.vector_load %arg13[%swap3A_288, %swap3A_289] {strides = array<i32>} : memref<80x128xf32, #tpu.memory_space<vmem>>, vector<1x16xf32>,
        %swap3A_291 = vector.shape_cast %swap3A_290 : vector<1x16xf32> to vector<16xf32>
        %swap3A_292 = vector.shape_cast %mul3A_287 : vector<16xf32> to vector<1x16xf32>
        tpu.vector_store %arg13[%swap3A_288, %swap3A_289], %swap3A_292 {strides = array<i32>} : memref<80x128xf32, #tpu.memory_space<vmem>>, vector<1x16xf32>,
        %broadcast_in_dim3A_293 = arith.constant 5 : i32
        %broadcast_in_dim3A_294 = vector.broadcast %broadcast_in_dim3A_293 : i32 to vector<16xi32>
        %broadcast_in_dim3A_295 = vector.shape_cast %broadcast_in_dim3A_294 : vector<16xi32> to vector<16x1xi32>
        %gather3A_296 = vector.shape_cast %broadcast_in_dim3A_295 : vector<16x1xi32> to vector<16xi32>
        %gather3A_297 = tpu.dynamic_gather %select_n3A_212[%gather3A_296] in [0] : vector<16xf32>, vector<16xi32> -> vector<16xf32>
        %get3A_298 = arith.index_cast %scan3A_192 : i32 to index
        %get3A_299 = arith.constant 80 : index
        %get3A_300 = tpu.vector_load %arg12[%get3A_298, %get3A_299] {strides = array<i32>} : memref<80x128xf32, #tpu.memory_space<vmem>>, vector<1x16xf32>,
        %get3A_301 = vector.shape_cast %get3A_300 : vector<1x16xf32> to vector<16xf32>
        %mul3A_302 = arith.mulf %gather3A_297, %get3A_301 : vector<16xf32>
        %swap3A_303 = arith.index_cast %scan3A_192 : i32 to index
        %swap3A_304 = arith.constant 80 : index
        %swap3A_305 = tpu.vector_load %arg13[%swap3A_303, %swap3A_304] {strides = array<i32>} : memref<80x128xf32, #tpu.memory_space<vmem>>, vector<1x16xf32>,
        %swap3A_306 = vector.shape_cast %swap3A_305 : vector<1x16xf32> to vector<16xf32>
        %swap3A_307 = vector.shape_cast %mul3A_302 : vector<16xf32> to vector<1x16xf32>
        tpu.vector_store %arg13[%swap3A_303, %swap3A_304], %swap3A_307 {strides = array<i32>} : memref<80x128xf32, #tpu.memory_space<vmem>>, vector<1x16xf32>,
        %broadcast_in_dim3A_308 = arith.constant 6 : i32
        %broadcast_in_dim3A_309 = vector.broadcast %broadcast_in_dim3A_308 : i32 to vector<16xi32>
        %broadcast_in_dim3A_310 = vector.shape_cast %broadcast_in_dim3A_309 : vector<16xi32> to vector<16x1xi32>
        %gather3A_311 = vector.shape_cast %broadcast_in_dim3A_310 : vector<16x1xi32> to vector<16xi32>
        %gather3A_312 = tpu.dynamic_gather %select_n3A_212[%gather3A_311] in [0] : vector<16xf32>, vector<16xi32> -> vector<16xf32>
        %get3A_313 = arith.index_cast %scan3A_192 : i32 to index
        %get3A_314 = arith.constant 96 : index
        %get3A_315 = tpu.vector_load %arg12[%get3A_313, %get3A_314] {strides = array<i32>} : memref<80x128xf32, #tpu.memory_space<vmem>>, vector<1x16xf32>,
        %get3A_316 = vector.shape_cast %get3A_315 : vector<1x16xf32> to vector<16xf32>
        %mul3A_317 = arith.mulf %gather3A_312, %get3A_316 : vector<16xf32>
        %swap3A_318 = arith.index_cast %scan3A_192 : i32 to index
        %swap3A_319 = arith.constant 96 : index
        %swap3A_320 = tpu.vector_load %arg13[%swap3A_318, %swap3A_319] {strides = array<i32>} : memref<80x128xf32, #tpu.memory_space<vmem>>, vector<1x16xf32>,
        %swap3A_321 = vector.shape_cast %swap3A_320 : vector<1x16xf32> to vector<16xf32>
        %swap3A_322 = vector.shape_cast %mul3A_317 : vector<16xf32> to vector<1x16xf32>
        tpu.vector_store %arg13[%swap3A_318, %swap3A_319], %swap3A_322 {strides = array<i32>} : memref<80x128xf32, #tpu.memory_space<vmem>>, vector<1x16xf32>,
        %broadcast_in_dim3A_323 = arith.constant 7 : i32
        %broadcast_in_dim3A_324 = vector.broadcast %broadcast_in_dim3A_323 : i32 to vector<16xi32>
        %broadcast_in_dim3A_325 = vector.shape_cast %broadcast_in_dim3A_324 : vector<16xi32> to vector<16x1xi32>
        %gather3A_326 = vector.shape_cast %broadcast_in_dim3A_325 : vector<16x1xi32> to vector<16xi32>
        %gather3A_327 = tpu.dynamic_gather %select_n3A_212[%gather3A_326] in [0] : vector<16xf32>, vector<16xi32> -> vector<16xf32>
        %get3A_328 = arith.index_cast %scan3A_192 : i32 to index
        %get3A_329 = arith.constant 112 : index
        %get3A_330 = tpu.vector_load %arg12[%get3A_328, %get3A_329] {strides = array<i32>} : memref<80x128xf32, #tpu.memory_space<vmem>>, vector<1x16xf32>,
        %get3A_331 = vector.shape_cast %get3A_330 : vector<1x16xf32> to vector<16xf32>
        %mul3A_332 = arith.mulf %gather3A_327, %get3A_331 : vector<16xf32>
        %swap3A_333 = arith.index_cast %scan3A_192 : i32 to index
        %swap3A_334 = arith.constant 112 : index
        %swap3A_335 = tpu.vector_load %arg13[%swap3A_333, %swap3A_334] {strides = array<i32>} : memref<80x128xf32, #tpu.memory_space<vmem>>, vector<1x16xf32>,
        %swap3A_336 = vector.shape_cast %swap3A_335 : vector<1x16xf32> to vector<16xf32>
        %swap3A_337 = vector.shape_cast %mul3A_332 : vector<16xf32> to vector<1x16xf32>
        tpu.vector_store %arg13[%swap3A_333, %swap3A_334], %swap3A_337 {strides = array<i32>} : memref<80x128xf32, #tpu.memory_space<vmem>>, vector<1x16xf32>,
      }
      %scan3A_191 = arith.constant 80 : i32
      "tpu.region"() ({
        %run_scoped3A = tpu.sem_alloc : memref<!tpu.dma_semaphore, #tpu.memory_space<semaphore_mem>>
        %dma_start3A_192 = arith.constant 0 : i32
        %dma_start3A_193 = arith.constant 0 : i32
        %dma_start3A_194 = tpu.memref_slice %arg18[%dma_start3A_192, %dma_start3A_193] : memref<10000x16xf32, #tpu.memory_space<vmem_shared>> -> memref<10000x16xf32, #tpu.memory_space<vmem_shared>>
        tpu.enqueue_indirect_dma source(%arg14 : memref<80x16xf32, #tpu.memory_space<vmem>>) target(%dma_start3A_194 : memref<10000x16xf32, #tpu.memory_space<vmem_shared>>) offsets(%arg9 : memref<80xi32, #tpu.memory_space<vmem>>) semaphore(%run_scoped3A : memref<!tpu.dma_semaphore, #tpu.memory_space<semaphore_mem>>) {add = true}
        %dma_wait3A_195 = arith.constant 0 : i32
        %dma_wait3A_196 = arith.constant 0 : i32
        %dma_wait3A_197 = tpu.memref_slice %arg18[%dma_wait3A_195, %dma_wait3A_196] : memref<10000x16xf32, #tpu.memory_space<vmem_shared>> -> memref<10000x16xf32, #tpu.memory_space<vmem_shared>>
        tpu.wait_indirect_dma semaphore(%run_scoped3A : memref<!tpu.dma_semaphore, #tpu.memory_space<semaphore_mem>>) src(%arg14 : memref<80x16xf32, #tpu.memory_space<vmem>>) dst(%dma_wait3A_197 : memref<10000x16xf32, #tpu.memory_space<vmem_shared>>)
        tpu.yield
      }) : () -> ()
      "tpu.region"() ({
        %run_scoped3A = tpu.sem_alloc : memref<!tpu.dma_semaphore, #tpu.memory_space<semaphore_mem>>
        %dma_start3A_192 = arith.constant 0 : i32
        %dma_start3A_193 = arith.constant 0 : i32
        %dma_start3A_194 = tpu.memref_slice %arg17[%dma_start3A_192, %dma_start3A_193] : memref<10000x128xf32, #tpu.memory_space<vmem_shared>> -> memref<10000x128xf32, #tpu.memory_space<vmem_shared>>
        tpu.enqueue_indirect_dma source(%arg13 : memref<80x128xf32, #tpu.memory_space<vmem>>) target(%dma_start3A_194 : memref<10000x128xf32, #tpu.memory_space<vmem_shared>>) offsets(%arg9 : memref<80xi32, #tpu.memory_space<vmem>>) semaphore(%run_scoped3A : memref<!tpu.dma_semaphore, #tpu.memory_space<semaphore_mem>>) {add = true}
        %dma_wait3A_195 = arith.constant 0 : i32
        %dma_wait3A_196 = arith.constant 0 : i32
        %dma_wait3A_197 = tpu.memref_slice %arg17[%dma_wait3A_195, %dma_wait3A_196] : memref<10000x128xf32, #tpu.memory_space<vmem_shared>> -> memref<10000x128xf32, #tpu.memory_space<vmem_shared>>
        tpu.wait_indirect_dma semaphore(%run_scoped3A : memref<!tpu.dma_semaphore, #tpu.memory_space<semaphore_mem>>) src(%arg13 : memref<80x128xf32, #tpu.memory_space<vmem>>) dst(%dma_wait3A_197 : memref<10000x128xf32, #tpu.memory_space<vmem_shared>>)
        tpu.yield
      }) : () -> ()
    }
    %scan3A_64 = arith.constant 125 : i32
    %barrier3A_65 = arith.constant 0 : index
    tpu.barrier barrier_id(%barrier3A_65)
    %while3A_66 = arith.constant 0 : i32
    %while3A_67 = arith.constant 0 : i32
    %while3A_68 = arith.subi %select_n3A_32, %while3A_67 : i32
    %while3A_69 = arith.addi %while3A_67, %while3A_68 : i32
    %while3A_70 = arith.constant 1 : i32
    %while3A_71 = arith.divsi %while3A_68, %while3A_70 : i32
    %while3A_72 = arith.muli %while3A_71, %while3A_70 : i32
    %while3A_73 = arith.addi %while3A_67, %while3A_72 : i32
    %while3A_74 = arith.constant 1 : i32
    scf.for %while3A_84 = %while3A_67 to %while3A_73 step %while3A_74  : i32 {
      %mul3A_85 = arith.constant 16 : i32
      %mul3A_86 = arith.muli %while3A_84, %mul3A_85 : i32
      %add3A_87 = arith.addi %mul3A_34, %mul3A_86 : i32
      "tpu.region"() ({
        %run_scoped3A = tpu.sem_alloc : memref<!tpu.dma_semaphore, #tpu.memory_space<semaphore_mem>>
        %dma_start3A = arith.constant 0 : i32
        %dma_start3A_91 = tpu.memref_slice %arg17[%add3A_87, %dma_start3A] : memref<10000x128xf32, #tpu.memory_space<vmem_shared>> -> memref<16x128xf32, #tpu.memory_space<vmem_shared>>
        %dma_start3A_92 = arith.constant 0 : i32
        %dma_start3A_93 = tpu.memref_slice %arg17[%add3A_87, %dma_start3A_92] : memref<10000x128xf32, #tpu.memory_space<vmem_shared>> -> memref<16x128xf32, #tpu.memory_space<vmem_shared>>
        tpu.enqueue_dma source(%dma_start3A_93 : memref<16x128xf32, #tpu.memory_space<vmem_shared>>) target(%arg15 : memref<16x128xf32, #tpu.memory_space<vmem>>) target_semaphore(%run_scoped3A : memref<!tpu.dma_semaphore, #tpu.memory_space<semaphore_mem>>)
        %dma_wait3A = arith.constant 0 : i32
        %dma_wait3A_94 = tpu.memref_slice %arg17[%add3A_87, %dma_wait3A] : memref<10000x128xf32, #tpu.memory_space<vmem_shared>> -> memref<16x128xf32, #tpu.memory_space<vmem_shared>>
        %dma_wait3A_95 = arith.constant 0 : i32
        %dma_wait3A_96 = tpu.memref_slice %arg17[%add3A_87, %dma_wait3A_95] : memref<10000x128xf32, #tpu.memory_space<vmem_shared>> -> memref<16x128xf32, #tpu.memory_space<vmem_shared>>
        tpu.wait_dma2 semaphore(%run_scoped3A : memref<!tpu.dma_semaphore, #tpu.memory_space<semaphore_mem>>) src(%dma_wait3A_96 : memref<16x128xf32, #tpu.memory_space<vmem_shared>>) dst(%arg15 : memref<16x128xf32, #tpu.memory_space<vmem>>)
        tpu.yield
      }) : () -> ()
      %mul3A_88 = arith.constant 16 : i32
      %mul3A_89 = arith.muli %while3A_84, %mul3A_88 : i32
      %add3A_90 = arith.addi %mul3A_34, %mul3A_89 : i32
      "tpu.region"() ({
        %run_scoped3A = tpu.sem_alloc : memref<!tpu.dma_semaphore, #tpu.memory_space<semaphore_mem>>
        %dma_start3A = arith.constant 0 : i32
        %dma_start3A_91 = tpu.memref_slice %arg5[%arg0, %add3A_90, %dma_start3A] : memref<2x10000x128xf32, #tpu.memory_space<hbm>> -> memref<1x16x128xf32, #tpu.memory_space<hbm>>
        %dma_start3A_92 = tpu.memref_squeeze %dma_start3A_91 : memref<1x16x128xf32, #tpu.memory_space<hbm>> -> memref<16x128xf32, #tpu.memory_space<hbm>>
        %dma_start3A_93 = arith.constant 0 : i32
        %dma_start3A_94 = tpu.memref_slice %arg5[%arg0, %add3A_90, %dma_start3A_93] : memref<2x10000x128xf32, #tpu.memory_space<hbm>> -> memref<1x16x128xf32, #tpu.memory_space<hbm>>
        %dma_start3A_95 = tpu.memref_squeeze %dma_start3A_94 : memref<1x16x128xf32, #tpu.memory_space<hbm>> -> memref<16x128xf32, #tpu.memory_space<hbm>>
        tpu.enqueue_dma source(%arg15 : memref<16x128xf32, #tpu.memory_space<vmem>>) target(%dma_start3A_95 : memref<16x128xf32, #tpu.memory_space<hbm>>) target_semaphore(%run_scoped3A : memref<!tpu.dma_semaphore, #tpu.memory_space<semaphore_mem>>)
        %dma_wait3A = arith.constant 0 : i32
        %dma_wait3A_96 = tpu.memref_slice %arg5[%arg0, %add3A_90, %dma_wait3A] : memref<2x10000x128xf32, #tpu.memory_space<hbm>> -> memref<1x16x128xf32, #tpu.memory_space<hbm>>
        %dma_wait3A_97 = tpu.memref_squeeze %dma_wait3A_96 : memref<1x16x128xf32, #tpu.memory_space<hbm>> -> memref<16x128xf32, #tpu.memory_space<hbm>>
        %dma_wait3A_98 = arith.constant 0 : i32
        %dma_wait3A_99 = tpu.memref_slice %arg5[%arg0, %add3A_90, %dma_wait3A_98] : memref<2x10000x128xf32, #tpu.memory_space<hbm>> -> memref<1x16x128xf32, #tpu.memory_space<hbm>>
        %dma_wait3A_100 = tpu.memref_squeeze %dma_wait3A_99 : memref<1x16x128xf32, #tpu.memory_space<hbm>> -> memref<16x128xf32, #tpu.memory_space<hbm>>
        tpu.wait_dma2 semaphore(%run_scoped3A : memref<!tpu.dma_semaphore, #tpu.memory_space<semaphore_mem>>) src(%arg15 : memref<16x128xf32, #tpu.memory_space<vmem>>) dst(%dma_wait3A_100 : memref<16x128xf32, #tpu.memory_space<hbm>>)
        tpu.yield
      }) : () -> ()
    }
    %while3A_75 = arith.constant 1 : i32
    scf.for %while3A_84 = %while3A_73 to %while3A_69 step %while3A_75  : i32 {
      %mul3A_85 = arith.constant 16 : i32
      %mul3A_86 = arith.muli %while3A_84, %mul3A_85 : i32
      %add3A_87 = arith.addi %mul3A_34, %mul3A_86 : i32
      "tpu.region"() ({
        %run_scoped3A = tpu.sem_alloc : memref<!tpu.dma_semaphore, #tpu.memory_space<semaphore_mem>>
        %dma_start3A = arith.constant 0 : i32
        %dma_start3A_91 = tpu.memref_slice %arg17[%add3A_87, %dma_start3A] : memref<10000x128xf32, #tpu.memory_space<vmem_shared>> -> memref<16x128xf32, #tpu.memory_space<vmem_shared>>
        %dma_start3A_92 = arith.constant 0 : i32
        %dma_start3A_93 = tpu.memref_slice %arg17[%add3A_87, %dma_start3A_92] : memref<10000x128xf32, #tpu.memory_space<vmem_shared>> -> memref<16x128xf32, #tpu.memory_space<vmem_shared>>
        tpu.enqueue_dma source(%dma_start3A_93 : memref<16x128xf32, #tpu.memory_space<vmem_shared>>) target(%arg15 : memref<16x128xf32, #tpu.memory_space<vmem>>) target_semaphore(%run_scoped3A : memref<!tpu.dma_semaphore, #tpu.memory_space<semaphore_mem>>)
        %dma_wait3A = arith.constant 0 : i32
        %dma_wait3A_94 = tpu.memref_slice %arg17[%add3A_87, %dma_wait3A] : memref<10000x128xf32, #tpu.memory_space<vmem_shared>> -> memref<16x128xf32, #tpu.memory_space<vmem_shared>>
        %dma_wait3A_95 = arith.constant 0 : i32
        %dma_wait3A_96 = tpu.memref_slice %arg17[%add3A_87, %dma_wait3A_95] : memref<10000x128xf32, #tpu.memory_space<vmem_shared>> -> memref<16x128xf32, #tpu.memory_space<vmem_shared>>
        tpu.wait_dma2 semaphore(%run_scoped3A : memref<!tpu.dma_semaphore, #tpu.memory_space<semaphore_mem>>) src(%dma_wait3A_96 : memref<16x128xf32, #tpu.memory_space<vmem_shared>>) dst(%arg15 : memref<16x128xf32, #tpu.memory_space<vmem>>)
        tpu.yield
      }) : () -> ()
      %mul3A_88 = arith.constant 16 : i32
      %mul3A_89 = arith.muli %while3A_84, %mul3A_88 : i32
      %add3A_90 = arith.addi %mul3A_34, %mul3A_89 : i32
      "tpu.region"() ({
        %run_scoped3A = tpu.sem_alloc : memref<!tpu.dma_semaphore, #tpu.memory_space<semaphore_mem>>
        %dma_start3A = arith.constant 0 : i32
        %dma_start3A_91 = tpu.memref_slice %arg5[%arg0, %add3A_90, %dma_start3A] : memref<2x10000x128xf32, #tpu.memory_space<hbm>> -> memref<1x16x128xf32, #tpu.memory_space<hbm>>
        %dma_start3A_92 = tpu.memref_squeeze %dma_start3A_91 : memref<1x16x128xf32, #tpu.memory_space<hbm>> -> memref<16x128xf32, #tpu.memory_space<hbm>>
        %dma_start3A_93 = arith.constant 0 : i32
        %dma_start3A_94 = tpu.memref_slice %arg5[%arg0, %add3A_90, %dma_start3A_93] : memref<2x10000x128xf32, #tpu.memory_space<hbm>> -> memref<1x16x128xf32, #tpu.memory_space<hbm>>
        %dma_start3A_95 = tpu.memref_squeeze %dma_start3A_94 : memref<1x16x128xf32, #tpu.memory_space<hbm>> -> memref<16x128xf32, #tpu.memory_space<hbm>>
        tpu.enqueue_dma source(%arg15 : memref<16x128xf32, #tpu.memory_space<vmem>>) target(%dma_start3A_95 : memref<16x128xf32, #tpu.memory_space<hbm>>) target_semaphore(%run_scoped3A : memref<!tpu.dma_semaphore, #tpu.memory_space<semaphore_mem>>)
        %dma_wait3A = arith.constant 0 : i32
        %dma_wait3A_96 = tpu.memref_slice %arg5[%arg0, %add3A_90, %dma_wait3A] : memref<2x10000x128xf32, #tpu.memory_space<hbm>> -> memref<1x16x128xf32, #tpu.memory_space<hbm>>
        %dma_wait3A_97 = tpu.memref_squeeze %dma_wait3A_96 : memref<1x16x128xf32, #tpu.memory_space<hbm>> -> memref<16x128xf32, #tpu.memory_space<hbm>>
        %dma_wait3A_98 = arith.constant 0 : i32
        %dma_wait3A_99 = tpu.memref_slice %arg5[%arg0, %add3A_90, %dma_wait3A_98] : memref<2x10000x128xf32, #tpu.memory_space<hbm>> -> memref<1x16x128xf32, #tpu.memory_space<hbm>>
        %dma_wait3A_100 = tpu.memref_squeeze %dma_wait3A_99 : memref<1x16x128xf32, #tpu.memory_space<hbm>> -> memref<16x128xf32, #tpu.memory_space<hbm>>
        tpu.wait_dma2 semaphore(%run_scoped3A : memref<!tpu.dma_semaphore, #tpu.memory_space<semaphore_mem>>) src(%arg15 : memref<16x128xf32, #tpu.memory_space<vmem>>) dst(%dma_wait3A_100 : memref<16x128xf32, #tpu.memory_space<hbm>>)
        tpu.yield
      }) : () -> ()
    }
    %not3A_76 = arith.constant true
    %not3A_77 = arith.xori %eq3A_13, %not3A_76 : i1
    %convert_element_type3A_78 = arith.extui %not3A_77 : i1 to i32
    %cond3A_79 = arith.constant 0 : i32
    %cond3A_80 = arith.cmpi ne, %convert_element_type3A_78, %cond3A_79 : i32
    scf.if %cond3A_80 {
      "tpu.region"() ({
        %run_scoped3A = tpu.sem_alloc : memref<!tpu.dma_semaphore, #tpu.memory_space<semaphore_mem>>
        %dma_start3A = arith.constant 0 : i32
        %dma_start3A_84 = arith.constant 0 : i32
        %dma_start3A_85 = tpu.memref_slice %arg16[%dma_start3A, %dma_start3A_84] : memref<640x16xf32, #tpu.memory_space<vmem>> -> memref<624x16xf32, #tpu.memory_space<vmem>>
        %dma_start3A_86 = arith.constant 0 : i32
        %dma_start3A_87 = tpu.memref_slice %arg18[%mul3A_34, %dma_start3A_86] : memref<10000x16xf32, #tpu.memory_space<vmem_shared>> -> memref<624x16xf32, #tpu.memory_space<vmem_shared>>
        %dma_start3A_88 = arith.constant 0 : i32
        %dma_start3A_89 = arith.constant 0 : i32
        %dma_start3A_90 = tpu.memref_slice %arg16[%dma_start3A_88, %dma_start3A_89] : memref<640x16xf32, #tpu.memory_space<vmem>> -> memref<624x16xf32, #tpu.memory_space<vmem>>
        %dma_start3A_91 = arith.constant 0 : i32
        %dma_start3A_92 = tpu.memref_slice %arg18[%mul3A_34, %dma_start3A_91] : memref<10000x16xf32, #tpu.memory_space<vmem_shared>> -> memref<624x16xf32, #tpu.memory_space<vmem_shared>>
        tpu.enqueue_dma source(%dma_start3A_92 : memref<624x16xf32, #tpu.memory_space<vmem_shared>>) target(%dma_start3A_90 : memref<624x16xf32, #tpu.memory_space<vmem>>) target_semaphore(%run_scoped3A : memref<!tpu.dma_semaphore, #tpu.memory_space<semaphore_mem>>)
        %dma_wait3A = arith.constant 0 : i32
        %dma_wait3A_93 = arith.constant 0 : i32
        %dma_wait3A_94 = tpu.memref_slice %arg16[%dma_wait3A, %dma_wait3A_93] : memref<640x16xf32, #tpu.memory_space<vmem>> -> memref<624x16xf32, #tpu.memory_space<vmem>>
        %dma_wait3A_95 = arith.constant 0 : i32
        %dma_wait3A_96 = tpu.memref_slice %arg18[%mul3A_34, %dma_wait3A_95] : memref<10000x16xf32, #tpu.memory_space<vmem_shared>> -> memref<624x16xf32, #tpu.memory_space<vmem_shared>>
        %dma_wait3A_97 = arith.constant 0 : i32
        %dma_wait3A_98 = arith.constant 0 : i32
        %dma_wait3A_99 = tpu.memref_slice %arg16[%dma_wait3A_97, %dma_wait3A_98] : memref<640x16xf32, #tpu.memory_space<vmem>> -> memref<624x16xf32, #tpu.memory_space<vmem>>
        %dma_wait3A_100 = arith.constant 0 : i32
        %dma_wait3A_101 = tpu.memref_slice %arg18[%mul3A_34, %dma_wait3A_100] : memref<10000x16xf32, #tpu.memory_space<vmem_shared>> -> memref<624x16xf32, #tpu.memory_space<vmem_shared>>
        tpu.wait_dma2 semaphore(%run_scoped3A : memref<!tpu.dma_semaphore, #tpu.memory_space<semaphore_mem>>) src(%dma_wait3A_101 : memref<624x16xf32, #tpu.memory_space<vmem_shared>>) dst(%dma_wait3A_99 : memref<624x16xf32, #tpu.memory_space<vmem>>)
        tpu.yield
      }) : () -> ()
      "tpu.region"() ({
        %run_scoped3A = tpu.sem_alloc : memref<!tpu.dma_semaphore, #tpu.memory_space<semaphore_mem>>
        %dma_start3A = arith.constant 0 : i32
        %dma_start3A_84 = arith.constant 0 : i32
        %dma_start3A_85 = tpu.memref_slice %arg16[%dma_start3A, %dma_start3A_84] : memref<640x16xf32, #tpu.memory_space<vmem>> -> memref<624x16xf32, #tpu.memory_space<vmem>>
        %dma_start3A_86 = arith.constant 0 : i32
        %dma_start3A_87 = tpu.memref_slice %arg6[%arg0, %mul3A_34, %dma_start3A_86] : memref<2x10000x16xf32, #tpu.memory_space<hbm>> -> memref<1x624x16xf32, #tpu.memory_space<hbm>>
        %dma_start3A_88 = tpu.memref_squeeze %dma_start3A_87 : memref<1x624x16xf32, #tpu.memory_space<hbm>> -> memref<624x16xf32, #tpu.memory_space<hbm>>
        %dma_start3A_89 = arith.constant 0 : i32
        %dma_start3A_90 = tpu.memref_slice %arg6[%arg0, %mul3A_34, %dma_start3A_89] : memref<2x10000x16xf32, #tpu.memory_space<hbm>> -> memref<1x624x16xf32, #tpu.memory_space<hbm>>
        %dma_start3A_91 = tpu.memref_squeeze %dma_start3A_90 : memref<1x624x16xf32, #tpu.memory_space<hbm>> -> memref<624x16xf32, #tpu.memory_space<hbm>>
        %dma_start3A_92 = arith.constant 0 : i32
        %dma_start3A_93 = arith.constant 0 : i32
        %dma_start3A_94 = tpu.memref_slice %arg16[%dma_start3A_92, %dma_start3A_93] : memref<640x16xf32, #tpu.memory_space<vmem>> -> memref<624x16xf32, #tpu.memory_space<vmem>>
        tpu.enqueue_dma source(%dma_start3A_94 : memref<624x16xf32, #tpu.memory_space<vmem>>) target(%dma_start3A_91 : memref<624x16xf32, #tpu.memory_space<hbm>>) target_semaphore(%run_scoped3A : memref<!tpu.dma_semaphore, #tpu.memory_space<semaphore_mem>>)
        %dma_wait3A = arith.constant 0 : i32
        %dma_wait3A_95 = arith.constant 0 : i32
        %dma_wait3A_96 = tpu.memref_slice %arg16[%dma_wait3A, %dma_wait3A_95] : memref<640x16xf32, #tpu.memory_space<vmem>> -> memref<624x16xf32, #tpu.memory_space<vmem>>
        %dma_wait3A_97 = arith.constant 0 : i32
        %dma_wait3A_98 = tpu.memref_slice %arg6[%arg0, %mul3A_34, %dma_wait3A_97] : memref<2x10000x16xf32, #tpu.memory_space<hbm>> -> memref<1x624x16xf32, #tpu.memory_space<hbm>>
        %dma_wait3A_99 = tpu.memref_squeeze %dma_wait3A_98 : memref<1x624x16xf32, #tpu.memory_space<hbm>> -> memref<624x16xf32, #tpu.memory_space<hbm>>
        %dma_wait3A_100 = arith.constant 0 : i32
        %dma_wait3A_101 = tpu.memref_slice %arg6[%arg0, %mul3A_34, %dma_wait3A_100] : memref<2x10000x16xf32, #tpu.memory_space<hbm>> -> memref<1x624x16xf32, #tpu.memory_space<hbm>>
        %dma_wait3A_102 = tpu.memref_squeeze %dma_wait3A_101 : memref<1x624x16xf32, #tpu.memory_space<hbm>> -> memref<624x16xf32, #tpu.memory_space<hbm>>
        %dma_wait3A_103 = arith.constant 0 : i32
        %dma_wait3A_104 = arith.constant 0 : i32
        %dma_wait3A_105 = tpu.memref_slice %arg16[%dma_wait3A_103, %dma_wait3A_104] : memref<640x16xf32, #tpu.memory_space<vmem>> -> memref<624x16xf32, #tpu.memory_space<vmem>>
        tpu.wait_dma2 semaphore(%run_scoped3A : memref<!tpu.dma_semaphore, #tpu.memory_space<semaphore_mem>>) src(%dma_wait3A_105 : memref<624x16xf32, #tpu.memory_space<vmem>>) dst(%dma_wait3A_102 : memref<624x16xf32, #tpu.memory_space<hbm>>)
        tpu.yield
      }) : () -> ()
    } else {
    }
    %convert_element_type3A_81 = arith.extui %eq3A_13 : i1 to i32
    %cond3A_82 = arith.constant 0 : i32
    %cond3A_83 = arith.cmpi ne, %convert_element_type3A_81, %cond3A_82 : i32
    scf.if %cond3A_83 {
      "tpu.region"() ({
        %run_scoped3A = tpu.sem_alloc : memref<!tpu.dma_semaphore, #tpu.memory_space<semaphore_mem>>
        %dma_start3A = arith.constant 0 : i32
        %dma_start3A_84 = tpu.memref_slice %arg18[%mul3A_34, %dma_start3A] : memref<10000x16xf32, #tpu.memory_space<vmem_shared>> -> memref<640x16xf32, #tpu.memory_space<vmem_shared>>
        %dma_start3A_85 = arith.constant 0 : i32
        %dma_start3A_86 = tpu.memref_slice %arg18[%mul3A_34, %dma_start3A_85] : memref<10000x16xf32, #tpu.memory_space<vmem_shared>> -> memref<640x16xf32, #tpu.memory_space<vmem_shared>>
        tpu.enqueue_dma source(%dma_start3A_86 : memref<640x16xf32, #tpu.memory_space<vmem_shared>>) target(%arg16 : memref<640x16xf32, #tpu.memory_space<vmem>>) target_semaphore(%run_scoped3A : memref<!tpu.dma_semaphore, #tpu.memory_space<semaphore_mem>>)
        %dma_wait3A = arith.constant 0 : i32
        %dma_wait3A_87 = tpu.memref_slice %arg18[%mul3A_34, %dma_wait3A] : memref<10000x16xf32, #tpu.memory_space<vmem_shared>> -> memref<640x16xf32, #tpu.memory_space<vmem_shared>>
        %dma_wait3A_88 = arith.constant 0 : i32
        %dma_wait3A_89 = tpu.memref_slice %arg18[%mul3A_34, %dma_wait3A_88] : memref<10000x16xf32, #tpu.memory_space<vmem_shared>> -> memref<640x16xf32, #tpu.memory_space<vmem_shared>>
        tpu.wait_dma2 semaphore(%run_scoped3A : memref<!tpu.dma_semaphore, #tpu.memory_space<semaphore_mem>>) src(%dma_wait3A_89 : memref<640x16xf32, #tpu.memory_space<vmem_shared>>) dst(%arg16 : memref<640x16xf32, #tpu.memory_space<vmem>>)
        tpu.yield
      }) : () -> ()
      "tpu.region"() ({
        %run_scoped3A = tpu.sem_alloc : memref<!tpu.dma_semaphore, #tpu.memory_space<semaphore_mem>>
        %dma_start3A = arith.constant 0 : i32
        %dma_start3A_84 = tpu.memref_slice %arg6[%arg0, %mul3A_34, %dma_start3A] : memref<2x10000x16xf32, #tpu.memory_space<hbm>> -> memref<1x640x16xf32, #tpu.memory_space<hbm>>
        %dma_start3A_85 = tpu.memref_squeeze %dma_start3A_84 : memref<1x640x16xf32, #tpu.memory_space<hbm>> -> memref<640x16xf32, #tpu.memory_space<hbm>>
        %dma_start3A_86 = arith.constant 0 : i32
        %dma_start3A_87 = tpu.memref_slice %arg6[%arg0, %mul3A_34, %dma_start3A_86] : memref<2x10000x16xf32, #tpu.memory_space<hbm>> -> memref<1x640x16xf32, #tpu.memory_space<hbm>>
        %dma_start3A_88 = tpu.memref_squeeze %dma_start3A_87 : memref<1x640x16xf32, #tpu.memory_space<hbm>> -> memref<640x16xf32, #tpu.memory_space<hbm>>
        tpu.enqueue_dma source(%arg16 : memref<640x16xf32, #tpu.memory_space<vmem>>) target(%dma_start3A_88 : memref<640x16xf32, #tpu.memory_space<hbm>>) target_semaphore(%run_scoped3A : memref<!tpu.dma_semaphore, #tpu.memory_space<semaphore_mem>>)
        %dma_wait3A = arith.constant 0 : i32
        %dma_wait3A_89 = tpu.memref_slice %arg6[%arg0, %mul3A_34, %dma_wait3A] : memref<2x10000x16xf32, #tpu.memory_space<hbm>> -> memref<1x640x16xf32, #tpu.memory_space<hbm>>
        %dma_wait3A_90 = tpu.memref_squeeze %dma_wait3A_89 : memref<1x640x16xf32, #tpu.memory_space<hbm>> -> memref<640x16xf32, #tpu.memory_space<hbm>>
        %dma_wait3A_91 = arith.constant 0 : i32
        %dma_wait3A_92 = tpu.memref_slice %arg6[%arg0, %mul3A_34, %dma_wait3A_91] : memref<2x10000x16xf32, #tpu.memory_space<hbm>> -> memref<1x640x16xf32, #tpu.memory_space<hbm>>
        %dma_wait3A_93 = tpu.memref_squeeze %dma_wait3A_92 : memref<1x640x16xf32, #tpu.memory_space<hbm>> -> memref<640x16xf32, #tpu.memory_space<hbm>>
        tpu.wait_dma2 semaphore(%run_scoped3A : memref<!tpu.dma_semaphore, #tpu.memory_space<semaphore_mem>>) src(%arg16 : memref<640x16xf32, #tpu.memory_space<vmem>>) dst(%dma_wait3A_93 : memref<640x16xf32, #tpu.memory_space<hbm>>)
        tpu.yield
      }) : () -> ()
    } else {
    }
    return
  }
}

module attributes {stable_mosaic.version = 14 : i64} {
  func.func @_prep_body(%arg0: i32, %arg1: memref<1000x128xf32, #tpu.memory_space<vmem>>, %arg2: memref<128x128xf32, #tpu.memory_space<vmem>>, %arg3: memref<128x16xf32, #tpu.memory_space<vmem>>, %arg4: memref<1000x128xf32, #tpu.memory_space<vmem>>, %arg5: memref<1000x16xf32, #tpu.memory_space<vmem>>) attributes {dimension_semantics = [#tpu.dimension_semantics<arbitrary>], iteration_bounds = array<i64: 10>, scalar_prefetch = 0 : i64, scratch_operands = 0 : i64, tpu.core_type = #tpu.core_type<tc>, window_params = [{transform_indices = @transform_0, window_bounds = array<i64: 1000, 128>}, {pipeline_mode = #tpu.pipeline_mode<synchronous>, transform_indices = @transform_1, window_bounds = array<i64: 128, 128>}, {pipeline_mode = #tpu.pipeline_mode<synchronous>, transform_indices = @transform_2, window_bounds = array<i64: 128, 16>}, {transform_indices = @transform_3, window_bounds = array<i64: 1000, 128>}, {transform_indices = @transform_4, window_bounds = array<i64: 1000, 16>}]} {
    %get3A = arith.constant 0 : index
    %get3A_0 = arith.constant 0 : index
    %get3A_1 = vector.load %arg1[%get3A, %get3A_0] : memref<1000x128xf32, #tpu.memory_space<vmem>>, vector<1000x128xf32>
    %get3A_2 = arith.constant 0 : index
    %get3A_3 = arith.constant 0 : index
    %get3A_4 = vector.load %arg2[%get3A_2, %get3A_3] : memref<128x128xf32, #tpu.memory_space<vmem>>, vector<128x128xf32>
    %dot_general3A = arith.constant dense<0.000000e+00> : vector<1000x128xf32>
    %dot_general3A_5 = tpu.matmul %get3A_1, %get3A_4, %dot_general3A {dimension_numbers = #tpu.dot_dimension_numbers<[1], [0], [0], [1], [0, 0, 1, 1], [], []>, transpose_lhs_hint = false} : vector<1000x128xf32>, vector<128x128xf32>, vector<1000x128xf32> -> vector<1000x128xf32>
    %swap3A = arith.constant 0 : index
    %swap3A_6 = arith.constant 0 : index
    %swap3A_7 = vector.load %arg4[%swap3A, %swap3A_6] : memref<1000x128xf32, #tpu.memory_space<vmem>>, vector<1000x128xf32>
    tpu.vector_store %arg4[%swap3A, %swap3A_6], %dot_general3A_5 {strides = array<i32>} : memref<1000x128xf32, #tpu.memory_space<vmem>>, vector<1000x128xf32>,
    %get3A_8 = arith.constant 0 : index
    %get3A_9 = arith.constant 0 : index
    %get3A_10 = vector.load %arg3[%get3A_8, %get3A_9] : memref<128x16xf32, #tpu.memory_space<vmem>>, vector<128x16xf32>
    %dot_general3A_11 = arith.constant dense<0.000000e+00> : vector<1000x16xf32>
    %dot_general3A_12 = tpu.matmul %dot_general3A_5, %get3A_10, %dot_general3A_11 {dimension_numbers = #tpu.dot_dimension_numbers<[1], [0], [0], [1], [0, 0, 1, 1], [], []>, transpose_lhs_hint = false} : vector<1000x128xf32>, vector<128x16xf32>, vector<1000x16xf32> -> vector<1000x16xf32>
    %swap3A_13 = arith.constant 0 : index
    %swap3A_14 = arith.constant 0 : index
    %swap3A_15 = vector.load %arg5[%swap3A_13, %swap3A_14] : memref<1000x16xf32, #tpu.memory_space<vmem>>, vector<1000x16xf32>
    tpu.vector_store %arg5[%swap3A_13, %swap3A_14], %dot_general3A_12 {strides = array<i32>} : memref<1000x16xf32, #tpu.memory_space<vmem>>, vector<1000x16xf32>,
    return
  }
  func.func @transform_0(%arg0: i32) -> (i32, i32) {
    %c0_i32 = arith.constant 0 : i32
    %c0_i32_0 = arith.constant 0 : i32
    return %arg0, %c0_i32 : i32, i32
  }
  func.func @transform_1(%arg0: i32) -> (i32, i32) {
    %c0_i32 = arith.constant 0 : i32
    %c0_i32_0 = arith.constant 0 : i32
    %c0_i32_1 = arith.constant 0 : i32
    return %c0_i32, %c0_i32_0 : i32, i32
  }
  func.func @transform_2(%arg0: i32) -> (i32, i32) {
    %c0_i32 = arith.constant 0 : i32
    %c0_i32_0 = arith.constant 0 : i32
    %c0_i32_1 = arith.constant 0 : i32
    return %c0_i32, %c0_i32_0 : i32, i32
  }
  func.func @transform_3(%arg0: i32) -> (i32, i32) {
    %c0_i32 = arith.constant 0 : i32
    %c0_i32_0 = arith.constant 0 : i32
    return %arg0, %c0_i32 : i32, i32
  }
  func.func @transform_4(%arg0: i32) -> (i32, i32) {
    %c0_i32 = arith.constant 0 : i32
    %c0_i32_0 = arith.constant 0 : i32
    return %arg0, %c0_i32 : i32, i32
  }
}

module attributes {stable_mosaic.version = 14 : i64} {
  func.func @_fin_body(%arg0: i32, %arg1: memref<2x1000x128xf32, #tpu.memory_space<vmem>>, %arg2: memref<2x1000x16xf32, #tpu.memory_space<vmem>>, %arg3: memref<1x128xf32, #tpu.memory_space<vmem>>, %arg4: memref<16x128xf32, #tpu.memory_space<vmem>>, %arg5: memref<1000x128xf32, #tpu.memory_space<vmem>>) attributes {dimension_semantics = [#tpu.dimension_semantics<arbitrary>], iteration_bounds = array<i64: 10>, scalar_prefetch = 0 : i64, scratch_operands = 0 : i64, tpu.core_type = #tpu.core_type<tc>, window_params = [{transform_indices = @transform_0, window_bounds = array<i64: 2, 1000, 128>}, {transform_indices = @transform_1, window_bounds = array<i64: 2, 1000, 16>}, {pipeline_mode = #tpu.pipeline_mode<synchronous>, transform_indices = @transform_2, window_bounds = array<i64: 1, 128>}, {pipeline_mode = #tpu.pipeline_mode<synchronous>, transform_indices = @transform_3, window_bounds = array<i64: 16, 128>}, {transform_indices = @transform_4, window_bounds = array<i64: 1000, 128>}]} {
    %get3A = arith.constant 0 : index
    %get3A_0 = arith.constant 0 : index
    %get3A_1 = arith.constant 0 : index
    %get3A_2 = vector.load %arg1[%get3A, %get3A_0, %get3A_1] : memref<2x1000x128xf32, #tpu.memory_space<vmem>>, vector<1x1000x128xf32>
    %get3A_3 = vector.shape_cast %get3A_2 : vector<1x1000x128xf32> to vector<1000x128xf32>
    %get3A_4 = arith.constant 1 : index
    %get3A_5 = arith.constant 0 : index
    %get3A_6 = arith.constant 0 : index
    %get3A_7 = vector.load %arg1[%get3A_4, %get3A_5, %get3A_6] : memref<2x1000x128xf32, #tpu.memory_space<vmem>>, vector<1x1000x128xf32>
    %get3A_8 = vector.shape_cast %get3A_7 : vector<1x1000x128xf32> to vector<1000x128xf32>
    %add3A = arith.addf %get3A_3, %get3A_8 : vector<1000x128xf32>
    %get3A_9 = arith.constant 0 : index
    %get3A_10 = arith.constant 0 : index
    %get3A_11 = arith.constant 0 : index
    %get3A_12 = vector.load %arg2[%get3A_9, %get3A_10, %get3A_11] : memref<2x1000x16xf32, #tpu.memory_space<vmem>>, vector<1x1000x16xf32>
    %get3A_13 = vector.shape_cast %get3A_12 : vector<1x1000x16xf32> to vector<1000x16xf32>
    %get3A_14 = arith.constant 1 : index
    %get3A_15 = arith.constant 0 : index
    %get3A_16 = arith.constant 0 : index
    %get3A_17 = vector.load %arg2[%get3A_14, %get3A_15, %get3A_16] : memref<2x1000x16xf32, #tpu.memory_space<vmem>>, vector<1x1000x16xf32>
    %get3A_18 = vector.shape_cast %get3A_17 : vector<1x1000x16xf32> to vector<1000x16xf32>
    %add3A_19 = arith.addf %get3A_13, %get3A_18 : vector<1000x16xf32>
    %jit3A = arith.constant 1.000000e-10 : f32
    %max3A = vector.broadcast %jit3A : f32 to vector<1000x16xf32>
    %max3A_20 = arith.maximumf %max3A, %add3A_19 : vector<1000x16xf32>
    %div3A = arith.constant 1.000000e+00 : f32
    %div3A_21 = vector.broadcast %div3A : f32 to vector<1000x16xf32>
    %div3A_22 = arith.divf %div3A_21, %max3A_20 : vector<1000x16xf32>
    %get3A_23 = arith.constant 0 : index
    %get3A_24 = arith.constant 0 : index
    %get3A_25 = vector.load %arg4[%get3A_23, %get3A_24] : memref<16x128xf32, #tpu.memory_space<vmem>>, vector<16x128xf32>
    %dot_general3A = arith.constant dense<0.000000e+00> : vector<1000x128xf32>
    %dot_general3A_26 = tpu.matmul %div3A_22, %get3A_25, %dot_general3A {dimension_numbers = #tpu.dot_dimension_numbers<[1], [0], [0], [1], [0, 0, 1, 1], [], []>, transpose_lhs_hint = false} : vector<1000x16xf32>, vector<16x128xf32>, vector<1000x128xf32> -> vector<1000x128xf32>
    %mul3A = arith.mulf %add3A, %dot_general3A_26 : vector<1000x128xf32>
    %get3A_27 = arith.constant 0 : index
    %get3A_28 = arith.constant 0 : index
    %get3A_29 = vector.load %arg3[%get3A_27, %get3A_28] : memref<1x128xf32, #tpu.memory_space<vmem>>, vector<1x128xf32>
    %add3A_30 = vector.broadcast %get3A_29 : vector<1x128xf32> to vector<1000x128xf32>
    %add3A_31 = arith.addf %mul3A, %add3A_30 : vector<1000x128xf32>
    %swap3A = arith.constant 0 : index
    %swap3A_32 = arith.constant 0 : index
    %swap3A_33 = vector.load %arg5[%swap3A, %swap3A_32] : memref<1000x128xf32, #tpu.memory_space<vmem>>, vector<1000x128xf32>
    tpu.vector_store %arg5[%swap3A, %swap3A_32], %add3A_31 {strides = array<i32>} : memref<1000x128xf32, #tpu.memory_space<vmem>>, vector<1000x128xf32>,
    return
  }
  func.func @transform_0(%arg0: i32) -> (i32, i32, i32) {
    %c0_i32 = arith.constant 0 : i32
    %c0_i32_0 = arith.constant 0 : i32
    %c0_i32_1 = arith.constant 0 : i32
    return %c0_i32, %arg0, %c0_i32_0 : i32, i32, i32
  }
  func.func @transform_1(%arg0: i32) -> (i32, i32, i32) {
    %c0_i32 = arith.constant 0 : i32
    %c0_i32_0 = arith.constant 0 : i32
    %c0_i32_1 = arith.constant 0 : i32
    return %c0_i32, %arg0, %c0_i32_0 : i32, i32, i32
  }
  func.func @transform_2(%arg0: i32) -> (i32, i32) {
    %c0_i32 = arith.constant 0 : i32
    %c0_i32_0 = arith.constant 0 : i32
    %c0_i32_1 = arith.constant 0 : i32
    return %c0_i32, %c0_i32_0 : i32, i32
  }
  func.func @transform_3(%arg0: i32) -> (i32, i32) {
    %c0_i32 = arith.constant 0 : i32
    %c0_i32_0 = arith.constant 0 : i32
    %c0_i32_1 = arith.constant 0 : i32
    return %c0_i32, %c0_i32_0 : i32, i32
  }
  func.func @transform_4(%arg0: i32) -> (i32, i32) {
    %c0_i32 = arith.constant 0 : i32
    %c0_i32_0 = arith.constant 0 : i32
    return %arg0, %c0_i32 : i32, i32
  }
}

</mosaic_0001>

<sc_bundles>
// kernel: kernel.5.cloned.1.call-start
scs
__scs_entry_jumppad:
0x0: {  	(pc) =	sbr.rel $0x88, $3  }
0x1: {  	(tag) =	ssettag $0x0;
	lr =	simm.s32 $0x1  }
0x2: {  	[smem:$0x3F9B] =	sst lr;
	_ =	strace $0xD0000000  }
0x3: {  	_ = 	snop  }
0x4: {  	_ = 	snop  }
0x5: {  	_ = 	snop  }
0x6: {  	_ = 	snop  }
0x7: {  	_ = 	snop  }
__scs_overlays_trampoline_lowered:
0x8: {  	[smem:$0x3FAA] =	sst s0  }
0x9: {  	[smem:$0x3FAB] =	sst s1  }
0xa: {  	[smem:$0x3FAC] =	sst s2  }
0xb: {  	[smem:$0x3FAD] =	sst s3  }
0xc: {  	[smem:$0x3FAE] =	sst s4  }
0xd: {  	[smem:$0x3FAF] =	sst s5  }
0xe: {  	[smem:$0x3FB0] =	sst s6  }
0xf: {  	[smem:$0x3FB1] =	sst s7  }
0x10: {  	[smem:$0x3FB2] =	sst s8  }
0x11: {  	[smem:$0x3FB3] =	sst s9;
	s0 =	simm.s32 @!p0 $0x0  }
0x12: {  	s1 =	sld [smem:$0x3F99];
	s0 =	simm.s32 @p0 $0x1  }
0x13: {  	[smem:$0x3FB4] =	sst s0;
	s0 =	simm.s32 @!p1 $0x0  }
0x14: {  	s2 =	sld [smem:$0x3F98];
	s0 =	simm.s32 @p1 $0x1  }
0x15: {  	[smem:$0x3FB5] =	sst s0;
	s0 =	simm.s32 @!p2 $0x0  }
0x16: {  	s3 =	sld [smem:$0x3FDB];
	s0 =	simm.s32 @p2 $0x1  }
0x17: {  	s4 =	simm.s32 $0x1BF5;
	[smem:$0x3FB7] =	sst s0  }
0x18: {  	s0 =	sld [smem:$0x3F9A];
	_ =	swait.ge [sflag:s4], $0x0  }
0x19: {  	s7 =	sld [smem:$0x3F9B]  }
0x1a: {  	s8 =	sadd.s32 $0xFFFFE003, lr  }
0x1b: {  	s9 =	sadd.s32 $0xFFFFFEF7, lr;
	s5 =	simm.s32 $0xFFFFFFFF;
	p2 =	slt.u32 s8, $0xFFFFF086  }
0x1c: {  	p1 =	slt.u32 s9, $0xF7A;
	s5 =	simm.s32 @!p2 $0x0  }
0x1d: {  	s5 =	simm.s32 @p1 $0x1;
	p0 =	seq.s32 s7, s2  }
0x1e: {  	s7 =	smul.u32 @!p0 $0xF7A, s2;
	p2 =	seq.s32 @!p0 s5, $0x0  }
0x1f: {  	s9 =	smul.u32 $0xF7A, s1;
	s8 =	simm.s32 @!p0 $0x1BF5;
	p2 =	por !p2, p0  }
0x20: {  	[sflag:s8] =	ssyncset.s32 @!p0 $0xFFFFF086;
	s6 =	sadd.s32 @!p0 s3, s7;
	s7 =	simm.s32 @!p0 $0x108  }
0x21: {  	s3 =	sadd.s32 s3, s9;
	s6 =	sadd.s32 @!p0 $0x88, s6;
	s7 =	simm.s32 @p2 $0x1082  }
0x22: {  	[simem:s7], [sflag:s8] =	dma.local @!p0 [hbm:s6], $0xF7A  }
0x23: {  	s9 =	sor.u32 $0xD0000000, s2;
	s6 =	simm.s32 $0x108;
	_ =	swait.ge @!p0 [sflag:s8], $0x0  }
0x24: {  	s3 =	sadd.s32 $0x88, s3;
	s6 =	simm.s32 @!p1 $0x1082;
	[sflag:s4] =	ssyncset.s32 $0xFFFFF086  }
0x25: {  	[simem:s6], [sflag:s4] =	dma.local [hbm:s3], $0xF7A  }
0x26: {  	[smem:$0x3F9B] =	sst s1;
	(tag) =	ssettag s2;
	_ =	strace s9  }
0x27: {  	s1 =	sld [smem:$0x3FAB]  }
0x28: {  	s2 =	sld [smem:$0x3FAC]  }
0x29: {  	s4 =	sld [smem:$0x3FAE]  }
0x2a: {  	p0 =	seq.s32 s5, $0x0;
	s5 =	sld [smem:$0x3FAF]  }
0x2b: {  	s6 =	sld [smem:$0x3FB0]  }
0x2c: {  	s7 =	sld [smem:$0x3FB1]  }
0x2d: {  	s3 =	simm.s32 $0x108;
	s8 =	sld [smem:$0x3FB2]  }
0x2e: {  	s3 =	simm.s32 @!p0 $0x1082;
	s9 =	sld [smem:$0x3FB3]  }
0x2f: {  	lr =	sadd.s32 s0, s3;
	s0 =	sld [smem:$0x3FAA]  }
0x30: {  	s3 =	sld [smem:$0x3FAD]  }
0x31: {  	[smem:$0x3FB6] =	sst s10  }
0x32: {  	s10 =	sld [smem:$0x3FB4];
	_ =	sdelay $0x3  }
0x33: {  	p0 =	seq.s32 s10, $0x1;
	s10 =	sld [smem:$0x3FB6];
	_ =	sdelay $0x3  }
0x34: {  	[smem:$0x3FB6] =	sst s10  }
0x35: {  	s10 =	sld [smem:$0x3FB5];
	_ =	sdelay $0x3  }
0x36: {  	p1 =	seq.s32 s10, $0x1;
	s10 =	sld [smem:$0x3FB6];
	_ =	sdelay $0x3  }
0x37: {  	[smem:$0x3FB6] =	sst s10  }
0x38: {  	s10 =	sld [smem:$0x3FB7]  }
0x39: {  	_ = 	snop;
	(pc) =	sbr.ind lr, $3  }
0x3a: {  	_ = 	snop  }
0x3b: {  	_ = 	snop  }
0x3c: {  	p2 =	seq.s32 s10, $0x1;
	s10 =	sld [smem:$0x3FB6]  }
0x3d: {  	_ =	shalt  }
0x3e: {  	_ =	shalt  }
0x3f: {  	_ =	shalt  }
0x40: {  	_ =	shalt  }
0x41: {  	_ =	shalt  }
0x42: {  	_ =	shalt  }
0x43: {  	_ =	shalt  }
0x44: {  	_ =	shalt  }
0x45: {  	_ =	shalt  }
0x46: {  	_ =	shalt  }
0x47: {  	_ =	shalt  }
0x48: {  	_ =	shalt  }
0x49: {  	_ =	shalt  }
0x4a: {  	_ =	shalt  }
0x4b: {  	_ =	shalt  }
0x4c: {  	_ =	shalt  }
0x4d: {  	_ =	shalt  }
0x4e: {  	_ =	shalt  }
0x4f: {  	_ =	shalt  }
0x50: {  	_ =	shalt  }
0x51: {  	_ =	shalt  }
0x52: {  	_ =	shalt  }
0x53: {  	_ =	shalt  }
0x54: {  	_ =	shalt  }
0x55: {  	_ =	shalt  }
0x56: {  	_ =	shalt  }
0x57: {  	_ =	shalt  }
0x58: {  	_ =	shalt  }
0x59: {  	_ =	shalt  }
0x5a: {  	_ =	shalt  }
0x5b: {  	_ =	shalt  }
0x5c: {  	_ =	shalt  }
0x5d: {  	_ =	shalt  }
0x5e: {  	_ =	shalt  }
0x5f: {  	_ =	shalt  }
0x60: {  	_ =	shalt  }
0x61: {  	_ =	shalt  }
0x62: {  	_ =	shalt  }
0x63: {  	_ =	shalt  }
0x64: {  	_ =	shalt  }
0x65: {  	_ =	shalt  }
0x66: {  	_ =	shalt  }
0x67: {  	_ =	shalt  }
0x68: {  	_ =	shalt  }
0x69: {  	_ =	shalt  }
0x6a: {  	_ =	shalt  }
0x6b: {  	_ =	shalt  }
0x6c: {  	_ =	shalt  }
0x6d: {  	_ =	shalt  }
0x6e: {  	_ =	shalt  }
0x6f: {  	_ =	shalt  }
0x70: {  	_ =	shalt  }
0x71: {  	_ =	shalt  }
0x72: {  	_ =	shalt  }
0x73: {  	_ =	shalt  }
0x74: {  	_ =	shalt  }
0x75: {  	_ =	shalt  }
0x76: {  	_ =	shalt  }
0x77: {  	_ =	shalt  }
0x78: {  	_ =	shalt  }
0x79: {  	_ =	shalt  }
0x7a: {  	_ =	shalt  }
0x7b: {  	_ =	shalt  }
0x7c: {  	_ =	shalt  }
0x7d: {  	_ =	shalt  }
0x7e: {  	_ =	shalt  }
0x7f: {  	_ =	shalt  }
0x80: {  	_ =	shalt  }
0x81: {  	_ =	shalt  }
0x82: {  	_ =	shalt  }
0x83: {  	_ =	shalt  }
0x84: {  	_ =	shalt  }
0x85: {  	_ =	shalt  }
0x86: {  	_ =	shalt  }
0x87: {  	_ =	shalt  }
.Lfunc_end0:
.L_simem_size_0:
called_computation_lowered:
.L_overlay_start_0:
0x88: {  	s2 =	sld [smem:$0x3FD9]  }
0x89: {  	s3 =	sld [smem:$0x3FFE];
	_ =	sdelay $0x1  }
0x8a: {  	s1 =	srdreg.scid  }
0x8b: {  	s0 =	sand.u32 $0x1, s1  }
0x8c: {  	s17 =	sshll.u32 s0, $0xA;
	s2 =	sadd.s32 s3, s2  }
0x8d: {  	s2 =	sadd.s32 s2, s17  }
0x8e: {  	[smem:$0x3FC2] =	sst s2  }
0x8f: {  	_ = 	snop  }
0x90: {  	s2 =	sld [smem:$0x3FD0];
	(tm) =	ssettm $0x1  }
0x91: {  	s18 =	sld [smem:$0x3FFB];
	_ =	sdelay $0x3  }
0x92: {  	_ =	strace s18  }
0x93: {  	s3 =	sld [smem:$0x3FFC];
	_ =	sdelay $0x3  }
0x94: {  	_ =	strace s3  }
0x95: {  	s3 =	sld [smem:$0x3FFD];
	_ =	sdelay $0x3  }
0x96: {  	_ =	strace s3  }
0x97: {  	_ =	strace $0x8FFFFFFF  }
0x98: {  	s19 =	sld [smem:$0x3FDB];
	_ =	sdelay $0x1  }
0x99: {  	s4 =	simm.s32 $_scs_section_size  }
0x9a: {  	s5 =	simm.s32 $_size__tile_overlayer_lowered;
	s6 =	simm.s32 $_tile_overlayer_lowered  }
0x9b: {  	s22 =	simm.s32 $0x1BFF;
	s21 =	sshll.u32 s6, $0x1;
	s3 =	sadd.s32 s4, s19  }
0x9c: {  	s7 =	simm.s32 $0x0;
	s20 =	sshll.u32 s5, $0x1;
	s5 =	sadd.s32 s21, s3  }
0x9d: {  	[timem:s7], [sflag:s22] =	dma.local [hbm:s5], s20  }
0x9e: {  	_ =	swait.ge [sflag:s22], s20  }
0x9f: {  	s4 =	ssub.s32 $0x0, s20;
	[sflag:s22] =	ssyncset.done $0x0  }
0xa0: {  	[sflag:s22] =	ssyncadd.s32 s4;
	_ =	sdelay $0x1  }
0xa1: {  	s23 =	simm.s32 $0x1B8B  }
0xa2: {  	_ =	swait.ge [sflag:s23], $0x1  }
0xa3: {  	[sflag:s23] =	ssyncset.done $0x0  }
0xa4: {  	s25 =	simm.s32 $0x1B8E;
	s24 =	sld [smem:$0x3FFE];
	[sflag:s23] =	ssyncadd.s32 $0xFFFFFFFF  }
0xa5: {  	s26 =	simm.s32 $execute0_lowered;
	[smem:$0x3FD2] =	sst s25  }
0xa6: {  	s5 =	sshll.u32 s26, $0x1;
	_ =	strace $0x80000046;
	[dreg:$0x1] =	wrdreg $0xFFFFFFFF  }
0xa7: {  	s28 =	simm.s32 $_size_execute0_lowered;
	s3 =	sadd.s32 s3, s5;
	[dreg:$0x0] =	wrdreg $0x0  }
0xa8: {  	s5 =	sshll.u32 s28, $0x1;
	[dreg:$0x2] =	wrdreg s3  }
0xa9: {  	[dreg:$0x3] =	wrdreg s5  }
0xaa: {  	[dreg:$0x4] =	wrdreg $0xC0  }
0xab: {  	_ =	task [dreg:s7], $0x5FFFF  }
0xac: {  	[dreg:$0x1] =	wrdreg $0xFFFFFFFF  }
0xad: {  	[dreg:$0x0] =	wrdreg $0x60  }
0xae: {  	[dreg:$0x2] =	wrdreg s24  }
0xaf: {  	[dreg:$0x3] =	wrdreg s2  }
0xb0: {  	[dreg:$0x4] =	wrdreg $0x8FF00  }
0xb1: {  	[dreg:$0x5] =	wrdreg $0x1C8700  }
0xb2: {  	[dreg:$0x6] =	wrdreg $0x9  }
0xb3: {  	_ =	task.clear_ibuf [dreg:s7], $0x7FFFF;
	_ =	strace $0x90000046  }
0xb4: {  	s29 =	simm.s32 $0x9;
	_ =	strace $0x80000048  }
0xb5: {  	_ =	swait.ge [sflag:s29], $0x1  }
0xb6: {  	[sflag:s29] =	ssyncadd.s32 $0xFFFFFFFF  }
0xb7: {  	_ =	strace $0x90000048  }
0xb8: {  	_ =	sfence  }
0xb9: {  	s30 =	sld [smem:$0x0];
	_ =	sdelay $0x2  }
0xba: {  	s31 =	sshll.u32 s1, $0xD;
	s1 =	sshrl.u32 s1, $0x2  }
0xbb: {  	s3 =	sand.u32 $0x4000, s31;
	s1 =	sadd.s32 s1, s30  }
0xbc: {  	s0 =	sor.u32 s3, s0;
	s1 =	sshll.u32 s1, $0x11  }
0xbd: {  	s0 =	sor.u32 s1, s0  }
0xbe: {  	s0 =	sadd.s32 $0x8F2B, s0  }
0xbf: {  	[sflag:s0] =	ssyncadd.remote.s32 $0x1  }
0xc0: {  	_ =	sfence.sel $0xFFFF  }
0xc1: {  	[dreg:$0x0] =	wrdreg $0xFFFFFFFF;
	(pc) =	sbr.abs _section_cstart, $3  }
0xc2: {  	[dreg:$0x1] =	wrdreg $0xFFFFFFFF  }
0xc3: {  	_ =	task.clear_ibuf [dreg:s7], $0x2FFFF;
	_ =	strace $0x9FFFFFFF  }
0xc4: {  	(tm) =	ssettm $0x7FFFFFFF  }
0xc5: {  	_ =	shalt  }
tec
execute0_lowered:
.L_overlay_start_1:
0x0: {  	(tag) =	ssettag $0x1  }
0x1: {  	s0 =	rddreg [dreg:$0x0]  }
0x2: {  	s1 =	rddreg [dreg:$0x1]  }
0x3: {  	s3 =	rddreg [dreg:$0x2];
	s2 =	srdreg.scid  }
0x4: {  	s15 =	stileid.u32;
	s4 =	rddreg [dreg:$0x3];
	s5 =	simm.s32 $0x0  }
0x5: {  	s18 =	simm.s32 $0x5FF0;
	s19 =	simm.s32 $0x2;
	s20 =	simm.s32 $0x50  }
0x6: {  	s21 =	simm.s32 $0xF0;
	s28 =	simm.s32 $0x32F0;
	s7 =	smul.u32 $0x13800, s15  }
0x7: {  	s29 =	simm.s32 $0x0;
	s2 =	sand.u32 $0x1, s2;
	s11 =	smul.u32 $0x4E000, s15  }
0x8: {  	[smem:$0x7FF] =	sst s5;
	s6 =	sadd.s32 $0x1000, s0;
	s12 =	smul.u32 $0x9C00, s15  }
0x9: {  	s23 =	sshll.u32 s15, $0x1;
	p0 =	seq.s32 s15, $0xF;
	s15 =	smul.u32 $0x2700, s15  }
0xa: {  	s30 =	simm.s32 $0x0;
	s8 =	smul.u32 $0x138800, s2;
	_ =	strace $0x80000047  }
0xb: {  	s9 =	ssub.s32 $0x2, s2;
	s14 =	sor.u32 s2, s23;
	s2 =	smul.u32 $0x27100, s2  }
0xc: {  	s23 =	simm.s32 $0xA0;
	s22 =	sshrl.u32 s9, $0x1;
	s24 =	sshrl.u32 s11, $0x2  }
0xd: {  	s25 =	sshrl.u32 s12, $0x2;
	s12 =	smul.u32 $0x2710, s14;
	s8 =	sadd.s32 s7, s8  }
0xe: {  	s7 =	sadd.s32 $0xAE00, s0;
	s13 =	ssub.s32 s9, s22;
	s9 =	sadd.s32 s24, s3  }
0xf: {  	s11 =	sadd.s32 s25, s4;
	s26 =	sadd.s32 s15, s2;
	s2 =	sshrl.u32 s2, $0x3  }
0x10: {  	s15 =	sadd.s32 s15, s4;
	s22 =	simm.s32 $0x1;
	s24 =	simm.s32 $0x5F0  }
0x11: {  	s25 =	simm.s32 $0xAF0;
	s8 =	sshrl.u32 s8, $0x3;
	[dreg:$0x5] =	wrdreg s11  }
0x12: {  	s11 =	sadd.s32 $0x24900, s4;
	[dreg:$0x6] =	wrdreg s15;
	s14 =	sshrl.u32 s26, $0x3  }
0x13: {  	v1 =	vlaneseq.u32;
	v0 =	vimm.f32 $0.0e+00;
	vm0 =	vmmov $0xff;
	s16 =	smax.u32 s13, $0x1;
	s10 =	sadd.s32 s8, s0;
	s0 =	sadd.s32 $0xFE00, s0  }
0x14: {  	v2 =	vimm.s32 $0x0;
	v3 =	vimm.s32 $0x1;
	v4 =	vimm.s32 $0x2;
	s26 =	simm.s32 $0x5AF0;
	s2 =	sadd.s32 s0, s2;
	s0 =	sadd.s32 s0, s14  }
0x15: {  	v5 =	vimm.s32 $0x3;
	v6 =	vimm.s32 $0x4;
	v7 =	vimm.s32 $0x5;
	s8 =	simm.s32 $0x28;
	[dreg:$0x7] =	wrdreg s0;
	s31 =	sadd.s32 $0x4920, s2  }
0x16: {  	v8 =	vimm.s32 $0x6;
	v9 =	vimm.s32 $0x7;
	v1 =	vor.u32 $0x8, v1;
	s8 =	simm.s32 @!p0 $0x27;
	s17 =	sadd.s32 $0x19C00, s10;
	[dreg:$0x8] =	wrdreg s31  }
.LBB2_1:
0x17: {  	s0 =	simm.s32 $0x0;
	s2 =	simm.s32 $0x200  }
.LBB2_2:
0x18: {  	p1 =	sne.s32 s2, $0x1E00;
	[tilespmem:s0+$0x6060] =	vst v0  }
0x19: {  	[tilespmem:s0+$0x5FF0] =	vst v0  }
0x1a: {  	[tilespmem:s0+$0x6000] =	vst v0  }
.Ltmp0:
0x1b: {  	[tilespmem:s0+$0x6010] =	vst v0;
	(pc) =	sbr.rel @p1 .LBB2_2-.Ltmp0, $4  }
0x1c: {  	[tilespmem:s0+$0x6020] =	vst v0  }
0x1d: {  	[tilespmem:s0+$0x6030] =	vst v0  }
0x1e: {  	[tilespmem:s0+$0x6040] =	vst v0  }
0x1f: {  	[tilespmem:s0+$0x6050] =	vst v0;
	s0 =	sshra.s32 s2, $0x2;
	s2 =	sadd.s32 $0x200, s2  }
0x20: {  	[tilespmem:s0+$0x6060] =	vst v0  }
0x21: {  	[tilespmem:s0+$0x5FF0] =	vst v0  }
0x22: {  	[tilespmem:s0+$0x6000] =	vst v0  }
0x23: {  	[tilespmem:s0+$0x6010] =	vst v0  }
0x24: {  	[tilespmem:s0+$0x6020] =	vst v0  }
0x25: {  	[tilespmem:s0+$0x6030] =	vst v0  }
0x26: {  	[tilespmem:s0+$0x6040] =	vst v0  }
0x27: {  	[tilespmem:s0+$0x6050] =	vst v0;
	s0 =	simm.s32 $0x40;
	s2 =	simm.s32 $0x0  }
.LBB2_4:
0x28: {  	p1 =	sne.s32 s0, $0x9FC0;
	[tilespmem:s2+$0x67F0] =	vst v0;
	s2 =	smov.u32 s0;
	s0 =	sadd.s32 $0x40, s0  }
.Ltmp1:
0x29: {  	(pc) =	sbr.rel @p1 .LBB2_4-.Ltmp1, $2  }
0x2a: {  	_ =	sdelay $0x2  }
0x2b: {  	s2 =	sshra.s32 s2, $0x2  }
0x2c: {  	p1 =	sne.s32 s8, $0x1  }
.Ltmp2:
0x2d: {  	_ = 	snop;
	(pc) =	sbr.rel @!p1 .LBB2_7-.Ltmp2, $4  }
0x2e: {  	[tilespmem:s2+$0x67F0] =	vst v0  }
0x2f: {  	[spmem:s9] =	stream.linear.scatter [tilespmem:s18], [sflag:$0x2], $0x800, $0x38;
	[tilespmem:$0x1EF80] =	vst v63  }
0x30: {  	_ =	swait.ge [sflag:s19], $0x800  }
0x31: {  	s0 =	sadd.s32 $0xFFFFFFFF, s8;
	s2 =	smov.u32 s9;
	[sflag:s19] =	ssyncset.done $0x0  }
.LBB2_6:
0x32: {  	p2 =	sne.s32 s0, $0x1;
	[sflag:s19] =	ssyncadd.s32 $0xFFFFF800;
	s2 =	sadd.s32 $0x800, s2  }
.Ltmp3:
0x33: {  	s0 =	sadd.s32 $0xFFFFFFFF, s0;
	(pc) =	sbr.rel @p2 .LBB2_6-.Ltmp3, $4  }
0x34: {  	_ = 	snop  }
0x35: {  	[spmem:s2] =	stream.linear.scatter [tilespmem:s18], [sflag:$0x2], $0x800, $0x38;
	[tilespmem:$0x1EF80] =	vst v63  }
0x36: {  	_ =	swait.ge [sflag:s19], $0x800  }
0x37: {  	[sflag:s19] =	ssyncset.done $0x0  }
.LBB2_7:
0x38: {  	[sflag:s19] =	ssyncadd.s32 $0xFFFFF800;
	s0 =	simm.s32 @p0 $0x67F0  }
0x39: {  	[spmem:s11] =	stream.linear.scatter @p0 [tilespmem:s0], [sflag:$0x2], $0x2800, $0x38;
	[tilespmem:$0x1EF80] =	vst v63  }
0x3a: {  	s0 =	simm.s32 @p0 $0x2  }
0x3b: {  	_ =	swait.ge @p0 [sflag:s0], $0x2800  }
0x3c: {  	[sflag:s0] =	ssyncset.done @p0 $0x0  }
0x3d: {  	s2 =	rddreg [dreg:$0x5];
	[sflag:s0] =	ssyncadd.s32 @p0 $0xFFFFD800;
	s0 =	simm.s32 @!p0 $0x67F0  }
0x3e: {  	[spmem:s2] =	stream.linear.scatter @!p0 [tilespmem:s0], [sflag:$0x2], $0x2700, $0x38;
	[tilespmem:$0x1EF80] =	vst v63  }
0x3f: {  	s0 =	simm.s32 @!p0 $0x2  }
0x40: {  	_ =	swait.ge @!p0 [sflag:s0], $0x2700  }
0x41: {  	[sflag:s0] =	ssyncset.done @!p0 $0x0  }
0x42: {  	[sflag:s0] =	ssyncadd.s32 @!p0 $0xFFFFD900  }
0x43: {  	s31 =	simm.s32 $0x0;
	[bflag:$0x0] =	sbarrier.arrive $0xFFFF  }
.LBB2_8:
0x44: {  	s0 =	smul.u32 $0x50, s31;
	_ =	sdelay $0x1  }
0x45: {  	s0 =	sadd.s32 s12, s0  }
0x46: {  	s0 =	sshrl.u32 s0, $0x3  }
0x47: {  	s0 =	sadd.s32 s6, s0  }
0x48: {  	[tilespmem:s30], [sflag:$0x2] =	stream.linear.gather [hbm4b:s0+s30], $0x50, $0x38;
	[tilespmem:$0x1EF80] =	vst v63  }
0x49: {  	_ =	swait.ge [sflag:s19], $0x50  }
0x4a: {  	[sflag:s19] =	ssyncset.done $0x0  }
0x4b: {  	[sflag:s19] =	ssyncadd.s32 $0xFFFFFFB0  }
0x4c: {  	v10 =	vld [tilespmem:$0x0];
	_ =	sdelay $0x1  }
0x4d: {  	v11 =	vld [tilespmem:$0x10];
	_ =	sdelay $0x1  }
0x4e: {  	v12 =	vld [tilespmem:$0x20]  }
0x4f: {  	v13 =	vand.u32 $0xFFFF, v10  }
0x50: {  	v56 =	vld [tilespmem:$0x30];
	v10 =	vshra.s32 v10, $0x10;
	[tilespmem:$0x50] =	vst v13  }
0x51: {  	[tilespmem:$0xA0] =	vst v10;
	v10 =	vand.u32 $0xFFFF, v11  }
0x52: {  	[tilespmem:$0x60] =	vst v10;
	v10 =	vshra.s32 v11, $0x10;
	v11 =	vld [tilespmem:$0x40]  }
0x53: {  	[tilespmem:$0xB0] =	vst v10;
	v10 =	vand.u32 $0xFFFF, v12  }
0x54: {  	[tilespmem:$0x70] =	vst v10;
	v10 =	vshra.s32 v12, $0x10  }
0x55: {  	[tilespmem:$0xC0] =	vst v10;
	v10 =	vand.u32 $0xFFFF, v56  }
0x56: {  	[tilespmem:$0x80] =	vst v10;
	v10 =	vshra.s32 v56, $0x10  }
0x57: {  	[tilespmem:$0xD0] =	vst v10;
	v10 =	vand.u32 $0xFFFF, v11  }
0x58: {  	[tilespmem:$0x90] =	vst v10;
	v10 =	vshra.s32 v11, $0x10  }
0x59: {  	[tilespmem:$0xE0] =	vst v10  }
0x5a: {  	[tilespmem:s21], [sflag:$0x1] =	stream.indirect.gather [hbm4b:s7+s20], $0x10, s20, s20, $0xb8;
	[tilespmem:$0x1EF80] =	vst v63  }
0x5b: {  	_ =	swait.ge [sflag:s22], $0x500  }
0x5c: {  	[sflag:s22] =	ssyncset.done $0x0  }
0x5d: {  	[sflag:s22] =	ssyncadd.s32 $0xFFFFFB00  }
0x5e: {  	[tilespmem:s24], [sflag:$0x1] =	stream.indirect.gather [hbm4b:s7+s20], $0x10, s23, s20, $0xb8;
	[tilespmem:$0x1EF80] =	vst v63  }
0x5f: {  	_ =	swait.ge [sflag:s22], $0x500  }
0x60: {  	[sflag:s22] =	ssyncset.done $0x0  }
0x61: {  	[sflag:s22] =	ssyncadd.s32 $0xFFFFFB00  }
0x62: {  	[tilespmem:s25], [sflag:$0x1] =	stream.indirect.gather [hbm4b:s1+s20], $0x80, s20, s20, $0xb8;
	[tilespmem:$0x1EF80] =	vst v63  }
0x63: {  	_ =	swait.ge [sflag:s22], $0x2800  }
0x64: {  	[sflag:s22] =	ssyncset.done $0x0  }
0x65: {  	s15 =	simm.s32 $0x0;
	[sflag:s22] =	ssyncadd.s32 $0xFFFFD800  }
0x66: {  	v10 =	vld [tilespmem:s15+$0x5F0];
	_ =	sdelay $0x1  }
0x67: {  	v11 =	vld [tilespmem:s15+$0xF0];
	_ =	sdelay $0x2  }
0x68: {  	v10 =	vperm.xlane v10, v1;
	_ =	sdelay $0x1  }
0x69: {  	v10 =	vadd.f32 v10, v11;
	_ =	sdelay $0x1  }
0x6a: {  	v11 =	vmul.f32 $2.000000030e-01, v10  }
0x6b: {  	vm1 =	vgt.f32 v10, $0.0e+00  }
0x6c: {  	v10 =	vsel vm1, v10, v11  }
0x6d: {  	v10 =	vmul.f32 $1.442695020e+00, v10;
	_ =	sdelay $0x1  }
0x6e: {  	(erf) = vpow2.f32 v10;
	_ =	sdelay $0x8  }
0x6f: {  	v10 =	vpop (erf)  }
0x70: {  	v10 =	vnsel vm0, $0x0, v10  }
0x71: {  	s10 =	simm.s32 $0xB30;
	[tilespmem:s15+$0x5AF0] =	vst v10  }
0x72: {  	v11 =	vld [tilespmem:s10+$0xFFFFFFC0];
	_ =	sdelay $0x2  }
0x73: {  	v57 =	vperm.xlane v10, v2;
	_ =	sdelay $0x1  }
0x74: {  	v11 =	vmul.f32 v11, v57  }
0x75: {  	s2 =	simm.s32 $0x3330  }
0x76: {  	[tilespmem:s2+$0xFFFFFFC0] =	vst v11  }
0x77: {  	v11 =	vld [tilespmem:s10+$0xFFFFFFD0];
	_ =	sdelay $0x2  }
0x78: {  	v58 =	vperm.xlane v10, v3;
	_ =	sdelay $0x1  }
0x79: {  	v11 =	vmul.f32 v11, v58;
	_ =	sdelay $0x1  }
0x7a: {  	[tilespmem:s2+$0xFFFFFFD0] =	vst v11  }
0x7b: {  	v11 =	vld [tilespmem:s10+$0xFFFFFFE0];
	_ =	sdelay $0x2  }
0x7c: {  	v59 =	vperm.xlane v10, v4;
	_ =	sdelay $0x1  }
0x7d: {  	v11 =	vmul.f32 v11, v59;
	_ =	sdelay $0x1  }
0x7e: {  	[tilespmem:s2+$0xFFFFFFE0] =	vst v11  }
0x7f: {  	v11 =	vld [tilespmem:s10+$0xFFFFFFF0];
	_ =	sdelay $0x2  }
0x80: {  	v60 =	vperm.xlane v10, v5;
	_ =	sdelay $0x1  }
0x81: {  	v11 =	vmul.f32 v11, v60;
	_ =	sdelay $0x1  }
0x82: {  	[tilespmem:s2+$0xFFFFFFF0] =	vst v11  }
0x83: {  	v11 =	vld [tilespmem:s10+$0x0];
	_ =	sdelay $0x2  }
0x84: {  	v61 =	vperm.xlane v10, v6;
	_ =	sdelay $0x1  }
0x85: {  	v11 =	vmul.f32 v11, v61;
	_ =	sdelay $0x1  }
0x86: {  	[tilespmem:s2+$0x0] =	vst v11  }
0x87: {  	v11 =	vld [tilespmem:s10+$0x10];
	_ =	sdelay $0x2  }
0x88: {  	v62 =	vperm.xlane v10, v7;
	_ =	sdelay $0x1  }
0x89: {  	v11 =	vmul.f32 v11, v62;
	_ =	sdelay $0x1  }
0x8a: {  	[tilespmem:s2+$0x10] =	vst v11  }
0x8b: {  	v11 =	vld [tilespmem:s10+$0x20];
	_ =	sdelay $0x2  }
0x8c: {  	v63 =	vperm.xlane v10, v8;
	_ =	sdelay $0x1  }
0x8d: {  	v11 =	vmul.f32 v11, v63;
	_ =	sdelay $0x1  }
0x8e: {  	[tilespmem:s2+$0x20] =	vst v11  }
0x8f: {  	v11 =	vld [tilespmem:s10+$0x30];
	_ =	sdelay $0x2  }
0x90: {  	v10 =	vperm.xlane v10, v9;
	_ =	sdelay $0x1  }
0x91: {  	s13 =	simm.s32 $0x80;
	s0 =	simm.s32 $0xBB0;
	s10 =	simm.s32 $0x40;
	v10 =	vmul.f32 v11, v10  }
.LBB2_9:
0x92: {  	s15 =	sshra.s32 s10, $0x2  }
0x93: {  	[tilespmem:s2+$0x30] =	vst v10;
	s2 =	sadd.s32 $0x80, s2;
	s10 =	smov.u32 s13;
	s14 =	sadd.s32 $0x40, s13  }
0x94: {  	p2 =	sne.s32 s13, $0x13C0;
	v10 =	vld [tilespmem:s15+$0x5F0];
	_ =	sdelay $0x1  }
0x95: {  	v11 =	vld [tilespmem:s15+$0xF0];
	_ =	sdelay $0x2  }
0x96: {  	v10 =	vperm.xlane v10, v1;
	_ =	sdelay $0x1  }
0x97: {  	v10 =	vadd.f32 v10, v11;
	_ =	sdelay $0x1  }
0x98: {  	v11 =	vmul.f32 $2.000000030e-01, v10  }
0x99: {  	vm1 =	vgt.f32 v10, $0.0e+00  }
0x9a: {  	v10 =	vsel vm1, v10, v11  }
0x9b: {  	v10 =	vmul.f32 $1.442695020e+00, v10;
	_ =	sdelay $0x1  }
0x9c: {  	(erf) = vpow2.f32 v10;
	_ =	sdelay $0x8  }
0x9d: {  	v10 =	vpop (erf)  }
0x9e: {  	v10 =	vnsel vm0, $0x0, v10  }
0x9f: {  	[tilespmem:s15+$0x5AF0] =	vst v10  }
0xa0: {  	v11 =	vld [tilespmem:s0+$0xFFFFFFC0];
	_ =	sdelay $0x2  }
0xa1: {  	v12 =	vperm.xlane v10, v2;
	_ =	sdelay $0x1  }
0xa2: {  	v11 =	vmul.f32 v11, v12;
	_ =	sdelay $0x1  }
0xa3: {  	[tilespmem:s2+$0xFFFFFFC0] =	vst v11  }
0xa4: {  	v11 =	vld [tilespmem:s0+$0xFFFFFFD0];
	_ =	sdelay $0x2  }
0xa5: {  	v12 =	vperm.xlane v10, v3;
	_ =	sdelay $0x1  }
0xa6: {  	v11 =	vmul.f32 v11, v12;
	_ =	sdelay $0x1  }
0xa7: {  	[tilespmem:s2+$0xFFFFFFD0] =	vst v11  }
0xa8: {  	v11 =	vld [tilespmem:s0+$0xFFFFFFE0];
	_ =	sdelay $0x2  }
0xa9: {  	v12 =	vperm.xlane v10, v4;
	_ =	sdelay $0x1  }
0xaa: {  	v11 =	vmul.f32 v11, v12;
	_ =	sdelay $0x1  }
0xab: {  	[tilespmem:s2+$0xFFFFFFE0] =	vst v11  }
0xac: {  	v11 =	vld [tilespmem:s0+$0xFFFFFFF0];
	_ =	sdelay $0x2  }
0xad: {  	v12 =	vperm.xlane v10, v5;
	_ =	sdelay $0x1  }
0xae: {  	v11 =	vmul.f32 v11, v12;
	_ =	sdelay $0x1  }
0xaf: {  	[tilespmem:s2+$0xFFFFFFF0] =	vst v11  }
0xb0: {  	v11 =	vld [tilespmem:s0+$0x0];
	_ =	sdelay $0x2  }
0xb1: {  	v12 =	vperm.xlane v10, v6;
	_ =	sdelay $0x1  }
0xb2: {  	v11 =	vmul.f32 v11, v12;
	_ =	sdelay $0x1  }
0xb3: {  	[tilespmem:s2+$0x0] =	vst v11  }
0xb4: {  	v11 =	vld [tilespmem:s0+$0x10];
	_ =	sdelay $0x2  }
0xb5: {  	v12 =	vperm.xlane v10, v7;
	_ =	sdelay $0x1  }
0xb6: {  	v11 =	vmul.f32 v11, v12;
	_ =	sdelay $0x1  }
0xb7: {  	[tilespmem:s2+$0x10] =	vst v11  }
0xb8: {  	v11 =	vld [tilespmem:s0+$0x20];
	_ =	sdelay $0x2  }
0xb9: {  	v12 =	vperm.xlane v10, v8;
	_ =	sdelay $0x1  }
0xba: {  	v11 =	vmul.f32 v11, v12;
	_ =	sdelay $0x1  }
0xbb: {  	[tilespmem:s2+$0x20] =	vst v11  }
0xbc: {  	v11 =	vld [tilespmem:s0+$0x30];
	_ =	sdelay $0x1  }
.Ltmp4:
0xbd: {  	(pc) =	sbr.rel @p2 .LBB2_9-.Ltmp4, $3  }
0xbe: {  	v10 =	vperm.xlane v10, v9;
	_ =	sdelay $0x1  }
0xbf: {  	v10 =	vmul.f32 v11, v10  }
0xc0: {  	s13 =	smov.u32 s14;
	s0 =	sadd.s32 $0x80, s0  }
0xc1: {  	s10 =	sshra.s32 s10, $0x2;
	[tilespmem:s2+$0x30] =	vst v10  }
0xc2: {  	v10 =	vld [tilespmem:s10+$0x5F0];
	_ =	sdelay $0x1  }
0xc3: {  	v11 =	vld [tilespmem:s10+$0xF0];
	_ =	sdelay $0x2  }
0xc4: {  	v10 =	vperm.xlane v10, v1;
	_ =	sdelay $0x1  }
0xc5: {  	v10 =	vadd.f32 v10, v11;
	_ =	sdelay $0x1  }
0xc6: {  	v11 =	vmul.f32 $2.000000030e-01, v10  }
0xc7: {  	vm1 =	vgt.f32 v10, $0.0e+00  }
0xc8: {  	v10 =	vsel vm1, v10, v11  }
0xc9: {  	v10 =	vmul.f32 $1.442695020e+00, v10;
	_ =	sdelay $0x1  }
0xca: {  	(erf) = vpow2.f32 v10;
	_ =	sdelay $0x8  }
0xcb: {  	v10 =	vpop (erf)  }
0xcc: {  	v10 =	vnsel vm0, $0x0, v10  }
0xcd: {  	[tilespmem:s10+$0x5AF0] =	vst v10  }
0xce: {  	v11 =	vld [tilespmem:s0+$0xFFFFFFC0];
	_ =	sdelay $0x2  }
0xcf: {  	v12 =	vperm.xlane v10, v2;
	_ =	sdelay $0x1  }
0xd0: {  	v11 =	vmul.f32 v11, v12  }
0xd1: {  	s15 =	sadd.s32 $0x80, s2  }
0xd2: {  	[tilespmem:s15+$0xFFFFFFC0] =	vst v11  }
0xd3: {  	v11 =	vld [tilespmem:s0+$0xFFFFFFD0];
	_ =	sdelay $0x2  }
0xd4: {  	v58 =	vperm.xlane v10, v3;
	_ =	sdelay $0x1  }
0xd5: {  	v11 =	vmul.f32 v11, v58;
	_ =	sdelay $0x1  }
0xd6: {  	[tilespmem:s15+$0xFFFFFFD0] =	vst v11  }
0xd7: {  	v11 =	vld [tilespmem:s0+$0xFFFFFFE0];
	_ =	sdelay $0x2  }
0xd8: {  	v59 =	vperm.xlane v10, v4;
	_ =	sdelay $0x1  }
0xd9: {  	v11 =	vmul.f32 v11, v59;
	_ =	sdelay $0x1  }
0xda: {  	[tilespmem:s15+$0xFFFFFFE0] =	vst v11  }
0xdb: {  	v11 =	vld [tilespmem:s0+$0xFFFFFFF0];
	_ =	sdelay $0x2  }
0xdc: {  	v60 =	vperm.xlane v10, v5;
	_ =	sdelay $0x1  }
0xdd: {  	v11 =	vmul.f32 v11, v60;
	_ =	sdelay $0x1  }
0xde: {  	[tilespmem:s15+$0xFFFFFFF0] =	vst v11  }
0xdf: {  	v11 =	vld [tilespmem:s0+$0x0];
	_ =	sdelay $0x2  }
0xe0: {  	v61 =	vperm.xlane v10, v6;
	_ =	sdelay $0x1  }
0xe1: {  	v11 =	vmul.f32 v11, v61;
	_ =	sdelay $0x1  }
0xe2: {  	[tilespmem:s15+$0x0] =	vst v11  }
0xe3: {  	v11 =	vld [tilespmem:s0+$0x10];
	_ =	sdelay $0x2  }
0xe4: {  	v62 =	vperm.xlane v10, v7;
	_ =	sdelay $0x1  }
0xe5: {  	v11 =	vmul.f32 v11, v62;
	_ =	sdelay $0x1  }
0xe6: {  	[tilespmem:s15+$0x10] =	vst v11  }
0xe7: {  	v11 =	vld [tilespmem:s0+$0x20];
	_ =	sdelay $0x2  }
0xe8: {  	v63 =	vperm.xlane v10, v8;
	_ =	sdelay $0x1  }
0xe9: {  	v11 =	vmul.f32 v11, v63;
	_ =	sdelay $0x1  }
0xea: {  	[tilespmem:s15+$0x20] =	vst v11  }
0xeb: {  	v11 =	vld [tilespmem:s0+$0x30];
	_ =	sdelay $0x2  }
0xec: {  	v10 =	vperm.xlane v10, v9;
	_ =	sdelay $0x1  }
0xed: {  	v10 =	vmul.f32 v11, v10;
	_ =	sdelay $0x1  }
0xee: {  	[tilespmem:s15+$0x30] =	vst v10  }
0xef: {  	[spmem:s4] =	stream.indirect.scatter.add.f32 [tilespmem:s26], [sflag:$0x2], $0x10, s23, s20, $0xb8;
	[tilespmem:$0x1EF80] =	vst v63  }
0xf0: {  	s31 =	sadd.s32 $0x1, s31;
	_ =	swait.ge [sflag:s19], $0x500  }
0xf1: {  	p2 =	sne.s32 s31, $0x7D;
	[sflag:s19] =	ssyncset.done $0x0  }
.Ltmp5:
0xf2: {  	[sflag:s19] =	ssyncadd.s32 $0xFFFFFB00;
	(pc) =	sbr.rel @p2 .LBB2_8-.Ltmp5, $4  }
0xf3: {  	[spmem:s3] =	stream.indirect.scatter.add.f32 [tilespmem:s28], [sflag:$0x2], $0x80, s23, s20, $0xb8;
	[tilespmem:$0x1EF80] =	vst v63  }
0xf4: {  	_ =	swait.ge [sflag:s19], $0x2800  }
0xf5: {  	[sflag:s19] =	ssyncset.done $0x0  }
0xf6: {  	[sflag:s19] =	ssyncadd.s32 $0xFFFFD800  }
0xf7: {  	[bflag:$0x0] =	sbarrier.arrive $0xFFFF  }
0xf8: {  	[tilespmem:s18], [sflag:$0x2] =	stream.linear.gather [spmem:s9], $0x800, $0x38;
	[tilespmem:$0x1EF80] =	vst v63  }
0xf9: {  	_ =	swait.ge [sflag:s19], $0x800  }
.Ltmp6:
0xfa: {  	[sflag:s19] =	ssyncset.done $0x0;
	(pc) =	sbr.rel @!p1 .LBB2_13-.Ltmp6, $4  }
0xfb: {  	[sflag:s19] =	ssyncadd.s32 $0xFFFFF800  }
0xfc: {  	[hbm4b:s17+s5] =	stream.linear.scatter [tilespmem:s18], [sflag:$0x2], $0x800, $0x38;
	[tilespmem:$0x1EF80] =	vst v63  }
0xfd: {  	s0 =	sadd.s32 $0xFFFFFFFF, s8;
	_ =	swait.ge [sflag:s19], $0x800  }
0xfe: {  	s2 =	smov.u32 s17;
	s10 =	smov.u32 s9;
	[sflag:s19] =	ssyncset.done $0x0  }
.LBB2_12:
0xff: {  	[sflag:s19] =	ssyncadd.s32 $0xFFFFF800;
	s2 =	sadd.s32 $0x100, s2;
	s10 =	sadd.s32 $0x800, s10  }
0x100: {  	[tilespmem:s18], [sflag:$0x2] =	stream.linear.gather [spmem:s10], $0x800, $0x38;
	[tilespmem:$0x1EF80] =	vst v63  }
0x101: {  	p1 =	sne.s32 s0, $0x1;
	s0 =	sadd.s32 $0xFFFFFFFF, s0;
	_ =	swait.ge [sflag:s19], $0x800  }
.Ltmp7:
0x102: {  	[sflag:s19] =	ssyncset.done $0x0;
	(pc) =	sbr.rel @p1 .LBB2_12-.Ltmp7, $4  }
0x103: {  	[sflag:s19] =	ssyncadd.s32 $0xFFFFF800  }
0x104: {  	[hbm4b:s2+s5] =	stream.linear.scatter [tilespmem:s18], [sflag:$0x2], $0x800, $0x38;
	[tilespmem:$0x1EF80] =	vst v63  }
0x105: {  	_ =	swait.ge [sflag:s19], $0x800  }
0x106: {  	[sflag:s19] =	ssyncset.done $0x0  }
.LBB2_13:
0x107: {  	[sflag:s19] =	ssyncadd.s32 $0xFFFFF800;
	s0 =	simm.s32 @p0 $0x67F0;
	s2 =	simm.s32 @p0 $0x2  }
0x108: {  	[tilespmem:s0], [sflag:$0x2] =	stream.linear.gather @p0 [spmem:s11], $0x2800, $0x38;
	[tilespmem:$0x1EF80] =	vst v63  }
0x109: {  	_ =	swait.ge @p0 [sflag:s2], $0x2800  }
0x10a: {  	[sflag:s2] =	ssyncset.done @p0 $0x0  }
0x10b: {  	s10 =	simm.s32 @p0 $0x0;
	s13 =	rddreg [dreg:$0x8];
	[sflag:s2] =	ssyncadd.s32 @p0 $0xFFFFD800  }
0x10c: {  	[hbm4b:s13+s10] =	stream.linear.scatter @p0 [tilespmem:s0], [sflag:$0x2], $0x2800, $0x38;
	[tilespmem:$0x1EF80] =	vst v63  }
0x10d: {  	_ =	swait.ge @p0 [sflag:s2], $0x2800  }
0x10e: {  	[sflag:s2] =	ssyncset.done @p0 $0x0  }
0x10f: {  	s0 =	simm.s32 @!p0 $0x67F0;
	[sflag:s2] =	ssyncadd.s32 @p0 $0xFFFFD800;
	s2 =	rddreg [dreg:$0x6]  }
0x110: {  	[tilespmem:s0], [sflag:$0x2] =	stream.linear.gather @!p0 [spmem:s2], $0x2700, $0x38;
	[tilespmem:$0x1EF80] =	vst v63  }
0x111: {  	s2 =	simm.s32 @!p0 $0x2  }
0x112: {  	s29 =	sadd.s32 $0x1, s29;
	_ =	swait.ge @!p0 [sflag:s2], $0x2700  }
0x113: {  	p1 =	sne.s32 s29, s16;
	s10 =	simm.s32 @!p0 $0x0;
	[sflag:s2] =	ssyncset.done @!p0 $0x0  }
.Ltmp8:
0x114: {  	s13 =	rddreg [dreg:$0x7];
	[sflag:s2] =	ssyncadd.s32 @!p0 $0xFFFFD900;
	(pc) =	sbr.rel @p1 .LBB2_1-.Ltmp8, $4  }
0x115: {  	[hbm4b:s13+s10] =	stream.linear.scatter @!p0 [tilespmem:s0], [sflag:$0x2], $0x2700, $0x38;
	[tilespmem:$0x1EF80] =	vst v63  }
0x116: {  	_ =	swait.ge @!p0 [sflag:s2], $0x2700  }
0x117: {  	[sflag:s2] =	ssyncset.done @!p0 $0x0  }
0x118: {  	[sflag:s2] =	ssyncadd.s32 @!p0 $0xFFFFD900  }
0x119: {  	_ =	sfence.sel $0x180000  }
0x11a: {  	[bflag:$0x0] =	sbarrier.arrive $0xFFFF  }
0x11b: {  	_ =	strace $0x90000047  }
0x11c: {  	s0 =	stileid.u32;
	[bflag:$0x2] =	sbarrier.arrive $0xFFFF  }
0x11d: {  	p0 =	sne.s32 s0, $0x0;
	s0 =	rddreg [dreg:$0x4]  }
0x11e: {  	s0 =	sadd.s32 @!p0 $0x100000, s0  }
0x11f: {  	[sflag:s0] =	ssyncadd.tile.s32 @!p0 $0x1;
	_ =	shalt  }
.Lfunc_end2:
_tile_overlayer_lowered:
.L_overlay_start_2:
0x120: {  	(tag) =	ssettag $0x2  }
0x121: {  	s0 =	rddreg [dreg:$0x0];
	s2 =	stileid.u32  }
0x122: {  	s1 =	rddreg [dreg:$0x1];
	p0 =	sne.s32 s2, $0x0  }
0x123: {  	s3 =	rddreg [dreg:$0x2];
	[bflag:$0x3] =	sbarrier.arrive $0xFFFF;
	s2 =	simm.s32 @!p0 $0x1C02  }
0x124: {  	[timem:s3], [sflag:s2] =	dma.local @!p0 [hbm:s0], s1  }
0x125: {  	s0 =	simm.s32 @!p0 $0x2  }
0x126: {  	_ =	swait.ge @!p0 [sflag:s0], s1  }
0x127: {  	s1 =	ssub.s32 @!p0 $0x0, s1;
	[sflag:s0] =	ssyncset.done @!p0 $0x0  }
0x128: {  	[sflag:s0] =	ssyncadd.s32 @!p0 s1  }
0x129: {  	[bflag:$0x3] =	sbarrier.arrive $0xFFFF  }
0x12a: {  	_ =	shalt  }

</sc_bundles>
